<compile_context>
chip_gen: v7x
topology: tpu7x:2x2x1
jax: 0.10.2.dev20260603
libtpu: 0.0.44.dev20260713+nightly
codegen_flags: <defaults>
</compile_context>

<pallas_src>
import functools

import jax
import jax.numpy as jnp
from jax import lax
from jax.experimental import pallas as pl
from jax.experimental.pallas import tpu as pltpu
from jax.experimental.pallas import tpu_sc as plsc

_N_NODES = 10000
_N_EDGES = 320000
_D_IN = 128
_D_EDGE = 16
_D_OUT = 128

_NC = 2
_NS = 16
_NW = _NC * _NS

_K = 80
_EDGES_PER_WORKER = _N_EDGES // _NW
_CHUNKS = _EDGES_PER_WORKER // _K
_PAIRS = _CHUNKS // 2
_N_PAD = 10240
_ROWS_PER_SUB = _N_PAD // _NS

_MESH = plsc.VectorSubcoreMesh(core_axis_name="c", subcore_axis_name="s")


def _sc_gather_segsum(v, src, dst, zeros_x):

    @functools.partial(
        pl.kernel,
        out_type=jax.ShapeDtypeStruct((_NC, _N_PAD, _D_OUT), jnp.float32),
        mesh=_MESH,
        scratch_types=[
            pltpu.VMEM_SHARED((_N_PAD, _D_OUT), jnp.float32),
            pltpu.VMEM((_K,), jnp.int32),
            pltpu.VMEM((_K,), jnp.int32),
            pltpu.VMEM((_K,), jnp.int32),
            pltpu.VMEM((_K,), jnp.int32),
            pltpu.VMEM((_K, _D_OUT), jnp.float32),
            pltpu.VMEM((_K, _D_OUT), jnp.float32),
            pltpu.SemaphoreType.DMA,
            pltpu.SemaphoreType.DMA,
            pltpu.SemaphoreType.DMA,
            pltpu.SemaphoreType.DMA,
        ],
    )
    def k(v_hbm, src_hbm, dst_hbm, zx_hbm, out_hbm, acc,
          s0, s1, d0, d1, rb0, rb1, gsem0, gsem1, rsem0, rsem1):
        S = (s0, s1)
        D = (d0, d1)
        RB = (rb0, rb1)
        GSEM = (gsem0, gsem1)
        RSEM = (rsem0, rsem1)

        c = lax.axis_index("c")
        sc = lax.axis_index("s")
        w = c * _NS + sc
        r0 = sc * _ROWS_PER_SUB

        pltpu.sync_copy(zx_hbm, acc.at[pl.ds(r0, _ROWS_PER_SUB)])
        plsc.subcore_barrier()

        base = w * _EDGES_PER_WORKER

        def load_and_gather(b, j):
            off = base + j * _K
            pltpu.sync_copy(src_hbm.at[pl.ds(off, _K)], S[b])
            pltpu.sync_copy(dst_hbm.at[pl.ds(off, _K)], D[b])
            pltpu.async_copy(v_hbm.at[S[b]], RB[b], GSEM[b])

        for b in (0, 1):
            load_and_gather(b, b)

        def block(i, b):
            j = 2 * i + b
            pltpu.make_async_copy(v_hbm.at[S[b]], RB[b], GSEM[b]).wait()
            pltpu.async_copy(RB[b], acc.at[D[b]], RSEM[b], add=True)
            pltpu.make_async_copy(RB[b], acc.at[D[b]], RSEM[b]).wait()

            @pl.when(j + 2 < _CHUNKS)
            def _():
                load_and_gather(b, j + 2)

        @pl.loop(0, _PAIRS)
        def _(i):
            for b in (0, 1):
                block(i, b)

        block(_PAIRS, 0)

        plsc.subcore_barrier()
        pltpu.sync_copy(acc.at[pl.ds(r0, _ROWS_PER_SUB)],
                        out_hbm.at[c, pl.ds(r0, _ROWS_PER_SUB)])

    return k(v, src, dst, zeros_x)


def _sc_linear_segsum(z, dst, zeros_x):

    @functools.partial(
        pl.kernel,
        out_type=jax.ShapeDtypeStruct((_NC, _N_PAD, _D_OUT), jnp.float32),
        mesh=_MESH,
        scratch_types=[
            pltpu.VMEM_SHARED((_N_PAD, _D_OUT), jnp.float32),
            pltpu.VMEM((_K,), jnp.int32),
            pltpu.VMEM((_K,), jnp.int32),
            pltpu.VMEM((_K, _D_OUT), jnp.float32),
            pltpu.VMEM((_K, _D_OUT), jnp.float32),
            pltpu.SemaphoreType.DMA,
            pltpu.SemaphoreType.DMA,
            pltpu.SemaphoreType.DMA,
            pltpu.SemaphoreType.DMA,
        ],
    )
    def k(z_hbm, dst_hbm, zx_hbm, out_hbm, acc,
          d0, d1, zb0, zb1, zsem0, zsem1, qsem0, qsem1):
        D = (d0, d1)
        ZB = (zb0, zb1)
        ZSEM = (zsem0, zsem1)
        QSEM = (qsem0, qsem1)

        c = lax.axis_index("c")
        sc = lax.axis_index("s")
        w = c * _NS + sc
        r0 = sc * _ROWS_PER_SUB

        pltpu.sync_copy(zx_hbm, acc.at[pl.ds(r0, _ROWS_PER_SUB)])
        plsc.subcore_barrier()

        base = w * _EDGES_PER_WORKER

        def load_chunk(b, j):
            off = base + j * _K
            pltpu.sync_copy(dst_hbm.at[pl.ds(off, _K)], D[b])
            pltpu.async_copy(z_hbm.at[pl.ds(off, _K)], ZB[b], ZSEM[b])

        for b in (0, 1):
            load_chunk(b, b)

        def block(i, b):
            j = 2 * i + b
            pltpu.make_async_copy(z_hbm.at[pl.ds(base, _K)], ZB[b],
                                  ZSEM[b]).wait()
            pltpu.async_copy(ZB[b], acc.at[D[b]], QSEM[b], add=True)
            pltpu.make_async_copy(ZB[b], acc.at[D[b]], QSEM[b]).wait()

            @pl.when(j + 2 < _CHUNKS)
            def _():
                load_chunk(b, j + 2)

        @pl.loop(0, _PAIRS)
        def _(i):
            for b in (0, 1):
                block(i, b)

        block(_PAIRS, 0)

        plsc.subcore_barrier()
        pltpu.sync_copy(acc.at[pl.ds(r0, _ROWS_PER_SUB)],
                        out_hbm.at[c, pl.ds(r0, _ROWS_PER_SUB)])

    return k(z, dst, zeros_x)


def _tc_matmul(a, w, blk, bf16=False):
    m, kd = a.shape

    def body(a_ref, w_ref, o_ref):
        av, wv = a_ref[...], w_ref[...]
        if bf16:
            av = av.astype(jnp.bfloat16)
            wv = wv.astype(jnp.bfloat16)
        o_ref[...] = lax.dot_general(
            av, wv, (((1,), (0,)), ((), ())),
            precision=None if bf16 else lax.Precision.HIGHEST,
            preferred_element_type=jnp.float32)

    return pl.pallas_call(
        body,
        grid=(m // blk,),
        in_specs=[pl.BlockSpec((blk, kd), lambda i: (i, 0)),
                  pl.BlockSpec((kd, _D_OUT), lambda i: (0, 0))],
        out_specs=pl.BlockSpec((blk, _D_OUT), lambda i: (i, 0)),
        out_shape=jax.ShapeDtypeStruct((m, _D_OUT), jnp.float32),
    )(a, w)


_BLK = 1000


def _tc_combine(pv, pz, bias):

    def body(pv_ref, pz_ref, b_ref, o_ref):
        o_ref[...] = (pv_ref[0] + pv_ref[1]) + (pz_ref[0] + pz_ref[1]) + b_ref[...]

    return pl.pallas_call(
        body,
        grid=(_N_NODES // _BLK,),
        in_specs=[pl.BlockSpec((_NC, _BLK, _D_OUT), lambda i: (0, i, 0)),
                  pl.BlockSpec((_NC, _BLK, _D_OUT), lambda i: (0, i, 0)),
                  pl.BlockSpec((1, _D_OUT), lambda i: (0, 0))],
        out_specs=pl.BlockSpec((_BLK, _D_OUT), lambda i: (i, 0)),
        out_shape=jax.ShapeDtypeStruct((_N_NODES, _D_OUT), jnp.float32),
    )(pv, pz, bias.reshape(1, _D_OUT))


def kernel(x, edge_index, edge_attr, W_msg, bias):
    src = edge_index[0].astype(jnp.int32)
    dst = edge_index[1].astype(jnp.int32)
    zeros_x = jnp.zeros((_ROWS_PER_SUB, _D_OUT), jnp.float32)
    v = _tc_matmul(x, W_msg[:_D_IN], 1000)
    pv = _sc_gather_segsum(v, src, dst, zeros_x)
    z = _tc_matmul(edge_attr, W_msg[_D_IN:], 8000, bf16=True)
    pz = _sc_linear_segsum(z, dst, zeros_x)
    return _tc_combine(pv, pz, bias)

# --- scband reference (transcript-rebuilt; emitter-appended) ---
"""Pipeline reference for scband-general-edge-conv-56908316672606 (READ-ONLY COPY).

The authoritative reference and input builder live on the scoring server;
editing this copy changes nothing except your own understanding.
"""

import jax, jax.numpy as jnp
import numpy as np

N_NODES = 10000
N_EDGES = 320000
D_IN = 128
D_EDGE = 16
D_OUT = 128


def setup_inputs(seed: int = 0) -> dict:
    key = jax.random.key(seed)
    k1, k2, k3, k4, k5 = jax.random.split(key, 5)
    x = jax.random.normal(k1, (N_NODES, D_IN), dtype=jnp.float32)
    edge_index = jax.random.randint(k2, (2, N_EDGES), 0, N_NODES)
    edge_attr = jax.random.normal(k3, (N_EDGES, D_EDGE), dtype=jnp.float32)
    # linear_msg: nn.Linear(dim_in + edge_dim, dim_out, bias=False)
    fan_in = D_IN + D_EDGE
    bound = 1.0 / np.sqrt(fan_in)
    W_msg = jax.random.uniform(k4, (fan_in, D_OUT), dtype=jnp.float32, minval=-bound, maxval=bound)
    # separate bias parameter added in update()
    bias = jax.random.uniform(k5, (D_OUT,), dtype=jnp.float32, minval=-bound, maxval=bound)
    return {"x": x, "edge_index": edge_index, "edge_attr": edge_attr, "W_msg": W_msg, "bias": bias}


def reference(x, edge_index, edge_attr, W_msg, bias):
    # GeneralEdgeConvLayer (GraphGym), msg_direction='single', aggr='add':
    #   message: m_e = Linear(concat(x_j, edge_feature))  where x_j = x[src]
    #   aggregate: scatter-add messages into dst nodes
    #   update: aggr_out + bias
    src = edge_index[0]
    dst = edge_index[1]
    x_j = jnp.take(x, src, axis=0)                         # gather [E, D_IN]
    msg_in = jnp.concatenate([x_j, edge_attr], axis=-1)    # [E, D_IN + D_EDGE]
    msg = msg_in @ W_msg                                   # [E, D_OUT]
    aggr = jax.ops.segment_sum(msg, dst, num_segments=N_NODES)  # scatter-add
    out = aggr + bias
    return out

if __name__ == "__main__":
    import jax
    _d = setup_inputs()
    print(jax.jit(kernel)(*tuple(_d.values())))

</pallas_src>

<mosaic_0001>
#map = affine_map<(d0, d1) -> (0, 0)>
#map1 = affine_map<(d0, d1) -> (0)>
#map2 = affine_map<(d0, d1) -> (0, 0, 0)>
module attributes {stable_mosaic.version = 14 : i64} {
  func.func @k(%arg0: i32, %arg1: i32, %arg2: memref<10000x128xf32, #tpu.memory_space<hbm>>, %arg3: memref<320000xi32, #tpu.memory_space<hbm>>, %arg4: memref<320000xi32, #tpu.memory_space<hbm>>, %arg5: memref<640x128xf32, #tpu.memory_space<hbm>>, %arg6: memref<2x10240x128xf32, #tpu.memory_space<hbm>>, %arg7: memref<10240x128xf32, #tpu.memory_space<vmem_shared>>, %arg8: memref<80xi32, #tpu.memory_space<vmem>>, %arg9: memref<80xi32, #tpu.memory_space<vmem>>, %arg10: memref<80xi32, #tpu.memory_space<vmem>>, %arg11: memref<80xi32, #tpu.memory_space<vmem>>, %arg12: memref<80x128xf32, #tpu.memory_space<vmem>>, %arg13: memref<80x128xf32, #tpu.memory_space<vmem>>, %arg14: memref<!tpu.dma_semaphore, #tpu.memory_space<semaphore_mem>>, %arg15: memref<!tpu.dma_semaphore, #tpu.memory_space<semaphore_mem>>, %arg16: memref<!tpu.dma_semaphore, #tpu.memory_space<semaphore_mem>>, %arg17: memref<!tpu.dma_semaphore, #tpu.memory_space<semaphore_mem>>) attributes {dimension_semantics = [#tpu.dimension_semantics<core_parallel>, #tpu.dimension_semantics<subcore_parallel>], iteration_bounds = array<i64: 2, 16>, scalar_prefetch = 0 : i64, scratch_operands = 11 : i64, tpu.core_type = #tpu.core_type<sc_vector_subcore>, window_params = [{transform_indices = #map}, {transform_indices = #map1}, {transform_indices = #map1}, {transform_indices = #map}, {transform_indices = #map2}]} {
    %mul3A = arith.constant 16 : i32
    %mul3A_0 = arith.muli %arg0, %mul3A : i32
    %add3A = arith.addi %mul3A_0, %arg1 : i32
    %mul3A_1 = arith.constant 640 : i32
    %mul3A_2 = arith.muli %arg1, %mul3A_1 : i32
    "tpu.region"() ({
      %run_scoped3A = tpu.sem_alloc : memref<!tpu.dma_semaphore, #tpu.memory_space<semaphore_mem>>
      %dma_start3A_27 = arith.constant 0 : i32
      %dma_start3A_28 = tpu.memref_slice %arg7[%mul3A_2, %dma_start3A_27] : memref<10240x128xf32, #tpu.memory_space<vmem_shared>> -> memref<640x128xf32, #tpu.memory_space<vmem_shared>>
      tpu.enqueue_dma source(%arg5 : memref<640x128xf32, #tpu.memory_space<hbm>>) target(%dma_start3A_28 : memref<640x128xf32, #tpu.memory_space<vmem_shared>>) target_semaphore(%run_scoped3A : memref<!tpu.dma_semaphore, #tpu.memory_space<semaphore_mem>>)
      %dma_wait3A_29 = arith.constant 0 : i32
      %dma_wait3A_30 = tpu.memref_slice %arg7[%mul3A_2, %dma_wait3A_29] : memref<10240x128xf32, #tpu.memory_space<vmem_shared>> -> memref<640x128xf32, #tpu.memory_space<vmem_shared>>
      tpu.wait_dma2 semaphore(%run_scoped3A : memref<!tpu.dma_semaphore, #tpu.memory_space<semaphore_mem>>) src(%arg5 : memref<640x128xf32, #tpu.memory_space<hbm>>) dst(%dma_wait3A_30 : memref<640x128xf32, #tpu.memory_space<vmem_shared>>)
      tpu.yield
    }) : () -> ()
    %barrier3A = arith.constant 0 : index
    tpu.barrier barrier_id(%barrier3A)
    %mul3A_3 = arith.constant 10000 : i32
    %mul3A_4 = arith.muli %add3A, %mul3A_3 : i32
    %add3A_5 = arith.constant 0 : i32
    %add3A_6 = arith.addi %mul3A_4, %add3A_5 : i32
    "tpu.region"() ({
      %run_scoped3A = tpu.sem_alloc : memref<!tpu.dma_semaphore, #tpu.memory_space<semaphore_mem>>
      %dma_start3A_27 = tpu.memref_slice %arg3[%add3A_6] : memref<320000xi32, #tpu.memory_space<hbm>> -> memref<80xi32, #tpu.memory_space<hbm>>
      %dma_start3A_28 = tpu.memref_slice %arg3[%add3A_6] : memref<320000xi32, #tpu.memory_space<hbm>> -> memref<80xi32, #tpu.memory_space<hbm>>
      tpu.enqueue_dma source(%dma_start3A_28 : memref<80xi32, #tpu.memory_space<hbm>>) target(%arg8 : memref<80xi32, #tpu.memory_space<vmem>>) target_semaphore(%run_scoped3A : memref<!tpu.dma_semaphore, #tpu.memory_space<semaphore_mem>>)
      %dma_wait3A_29 = tpu.memref_slice %arg3[%add3A_6] : memref<320000xi32, #tpu.memory_space<hbm>> -> memref<80xi32, #tpu.memory_space<hbm>>
      %dma_wait3A_30 = tpu.memref_slice %arg3[%add3A_6] : memref<320000xi32, #tpu.memory_space<hbm>> -> memref<80xi32, #tpu.memory_space<hbm>>
      tpu.wait_dma2 semaphore(%run_scoped3A : memref<!tpu.dma_semaphore, #tpu.memory_space<semaphore_mem>>) src(%dma_wait3A_30 : memref<80xi32, #tpu.memory_space<hbm>>) dst(%arg8 : memref<80xi32, #tpu.memory_space<vmem>>)
      tpu.yield
    }) : () -> ()
    "tpu.region"() ({
      %run_scoped3A = tpu.sem_alloc : memref<!tpu.dma_semaphore, #tpu.memory_space<semaphore_mem>>
      %dma_start3A_27 = tpu.memref_slice %arg4[%add3A_6] : memref<320000xi32, #tpu.memory_space<hbm>> -> memref<80xi32, #tpu.memory_space<hbm>>
      %dma_start3A_28 = tpu.memref_slice %arg4[%add3A_6] : memref<320000xi32, #tpu.memory_space<hbm>> -> memref<80xi32, #tpu.memory_space<hbm>>
      tpu.enqueue_dma source(%dma_start3A_28 : memref<80xi32, #tpu.memory_space<hbm>>) target(%arg10 : memref<80xi32, #tpu.memory_space<vmem>>) target_semaphore(%run_scoped3A : memref<!tpu.dma_semaphore, #tpu.memory_space<semaphore_mem>>)
      %dma_wait3A_29 = tpu.memref_slice %arg4[%add3A_6] : memref<320000xi32, #tpu.memory_space<hbm>> -> memref<80xi32, #tpu.memory_space<hbm>>
      %dma_wait3A_30 = tpu.memref_slice %arg4[%add3A_6] : memref<320000xi32, #tpu.memory_space<hbm>> -> memref<80xi32, #tpu.memory_space<hbm>>
      tpu.wait_dma2 semaphore(%run_scoped3A : memref<!tpu.dma_semaphore, #tpu.memory_space<semaphore_mem>>) src(%dma_wait3A_30 : memref<80xi32, #tpu.memory_space<hbm>>) dst(%arg10 : memref<80xi32, #tpu.memory_space<vmem>>)
      tpu.yield
    }) : () -> ()
    %dma_start3A = arith.constant 0 : i32
    %dma_start3A_7 = arith.constant 0 : i32
    %dma_start3A_8 = tpu.memref_slice %arg2[%dma_start3A, %dma_start3A_7] : memref<10000x128xf32, #tpu.memory_space<hbm>> -> memref<10000x128xf32, #tpu.memory_space<hbm>>
    tpu.enqueue_indirect_dma source(%dma_start3A_8 : memref<10000x128xf32, #tpu.memory_space<hbm>>) target(%arg12 : memref<80x128xf32, #tpu.memory_space<vmem>>) offsets(%arg8 : memref<80xi32, #tpu.memory_space<vmem>>) semaphore(%arg14 : memref<!tpu.dma_semaphore, #tpu.memory_space<semaphore_mem>>)
    %add3A_9 = arith.constant 80 : i32
    %add3A_10 = arith.addi %mul3A_4, %add3A_9 : i32
    "tpu.region"() ({
      %run_scoped3A = tpu.sem_alloc : memref<!tpu.dma_semaphore, #tpu.memory_space<semaphore_mem>>
      %dma_start3A_27 = tpu.memref_slice %arg3[%add3A_10] : memref<320000xi32, #tpu.memory_space<hbm>> -> memref<80xi32, #tpu.memory_space<hbm>>
      %dma_start3A_28 = tpu.memref_slice %arg3[%add3A_10] : memref<320000xi32, #tpu.memory_space<hbm>> -> memref<80xi32, #tpu.memory_space<hbm>>
      tpu.enqueue_dma source(%dma_start3A_28 : memref<80xi32, #tpu.memory_space<hbm>>) target(%arg9 : memref<80xi32, #tpu.memory_space<vmem>>) target_semaphore(%run_scoped3A : memref<!tpu.dma_semaphore, #tpu.memory_space<semaphore_mem>>)
      %dma_wait3A_29 = tpu.memref_slice %arg3[%add3A_10] : memref<320000xi32, #tpu.memory_space<hbm>> -> memref<80xi32, #tpu.memory_space<hbm>>
      %dma_wait3A_30 = tpu.memref_slice %arg3[%add3A_10] : memref<320000xi32, #tpu.memory_space<hbm>> -> memref<80xi32, #tpu.memory_space<hbm>>
      tpu.wait_dma2 semaphore(%run_scoped3A : memref<!tpu.dma_semaphore, #tpu.memory_space<semaphore_mem>>) src(%dma_wait3A_30 : memref<80xi32, #tpu.memory_space<hbm>>) dst(%arg9 : memref<80xi32, #tpu.memory_space<vmem>>)
      tpu.yield
    }) : () -> ()
    "tpu.region"() ({
      %run_scoped3A = tpu.sem_alloc : memref<!tpu.dma_semaphore, #tpu.memory_space<semaphore_mem>>
      %dma_start3A_27 = tpu.memref_slice %arg4[%add3A_10] : memref<320000xi32, #tpu.memory_space<hbm>> -> memref<80xi32, #tpu.memory_space<hbm>>
      %dma_start3A_28 = tpu.memref_slice %arg4[%add3A_10] : memref<320000xi32, #tpu.memory_space<hbm>> -> memref<80xi32, #tpu.memory_space<hbm>>
      tpu.enqueue_dma source(%dma_start3A_28 : memref<80xi32, #tpu.memory_space<hbm>>) target(%arg11 : memref<80xi32, #tpu.memory_space<vmem>>) target_semaphore(%run_scoped3A : memref<!tpu.dma_semaphore, #tpu.memory_space<semaphore_mem>>)
      %dma_wait3A_29 = tpu.memref_slice %arg4[%add3A_10] : memref<320000xi32, #tpu.memory_space<hbm>> -> memref<80xi32, #tpu.memory_space<hbm>>
      %dma_wait3A_30 = tpu.memref_slice %arg4[%add3A_10] : memref<320000xi32, #tpu.memory_space<hbm>> -> memref<80xi32, #tpu.memory_space<hbm>>
      tpu.wait_dma2 semaphore(%run_scoped3A : memref<!tpu.dma_semaphore, #tpu.memory_space<semaphore_mem>>) src(%dma_wait3A_30 : memref<80xi32, #tpu.memory_space<hbm>>) dst(%arg11 : memref<80xi32, #tpu.memory_space<vmem>>)
      tpu.yield
    }) : () -> ()
    %dma_start3A_11 = arith.constant 0 : i32
    %dma_start3A_12 = arith.constant 0 : i32
    %dma_start3A_13 = tpu.memref_slice %arg2[%dma_start3A_11, %dma_start3A_12] : memref<10000x128xf32, #tpu.memory_space<hbm>> -> memref<10000x128xf32, #tpu.memory_space<hbm>>
    tpu.enqueue_indirect_dma source(%dma_start3A_13 : memref<10000x128xf32, #tpu.memory_space<hbm>>) target(%arg13 : memref<80x128xf32, #tpu.memory_space<vmem>>) offsets(%arg9 : memref<80xi32, #tpu.memory_space<vmem>>) semaphore(%arg15 : memref<!tpu.dma_semaphore, #tpu.memory_space<semaphore_mem>>)
    %scan3A = arith.constant 0 : i32
    %scan3A_14 = arith.constant 62 : i32
    %scan3A_15 = arith.addi %scan3A, %scan3A_14 : i32
    %scan3A_16 = arith.constant 1 : i32
    scf.for %scan3A_27 = %scan3A to %scan3A_15 step %scan3A_16  : i32 {
      %mul3A_28 = arith.constant 1 : i32
      %mul3A_29 = arith.muli %scan3A_27, %mul3A_28 : i32
      %add3A_30 = arith.constant 0 : i32
      %add3A_31 = arith.addi %add3A_30, %mul3A_29 : i32
      %mul3A_32 = arith.constant 2 : i32
      %mul3A_33 = arith.muli %mul3A_32, %add3A_31 : i32
      %add3A_34 = arith.constant 0 : i32
      %add3A_35 = arith.addi %mul3A_33, %add3A_34 : i32
      %dma_wait3A_36 = arith.constant 0 : i32
      %dma_wait3A_37 = arith.constant 0 : i32
      %dma_wait3A_38 = tpu.memref_slice %arg2[%dma_wait3A_36, %dma_wait3A_37] : memref<10000x128xf32, #tpu.memory_space<hbm>> -> memref<10000x128xf32, #tpu.memory_space<hbm>>
      tpu.wait_indirect_dma semaphore(%arg14 : memref<!tpu.dma_semaphore, #tpu.memory_space<semaphore_mem>>) src(%dma_wait3A_38 : memref<10000x128xf32, #tpu.memory_space<hbm>>) dst(%arg12 : memref<80x128xf32, #tpu.memory_space<vmem>>)
      %dma_start3A_39 = arith.constant 0 : i32
      %dma_start3A_40 = arith.constant 0 : i32
      %dma_start3A_41 = tpu.memref_slice %arg7[%dma_start3A_39, %dma_start3A_40] : memref<10240x128xf32, #tpu.memory_space<vmem_shared>> -> memref<10240x128xf32, #tpu.memory_space<vmem_shared>>
      tpu.enqueue_indirect_dma source(%arg12 : memref<80x128xf32, #tpu.memory_space<vmem>>) target(%dma_start3A_41 : memref<10240x128xf32, #tpu.memory_space<vmem_shared>>) offsets(%arg10 : memref<80xi32, #tpu.memory_space<vmem>>) semaphore(%arg16 : memref<!tpu.dma_semaphore, #tpu.memory_space<semaphore_mem>>) {add = true}
      %dma_wait3A_42 = arith.constant 0 : i32
      %dma_wait3A_43 = arith.constant 0 : i32
      %dma_wait3A_44 = tpu.memref_slice %arg7[%dma_wait3A_42, %dma_wait3A_43] : memref<10240x128xf32, #tpu.memory_space<vmem_shared>> -> memref<10240x128xf32, #tpu.memory_space<vmem_shared>>
      tpu.wait_indirect_dma semaphore(%arg16 : memref<!tpu.dma_semaphore, #tpu.memory_space<semaphore_mem>>) src(%arg12 : memref<80x128xf32, #tpu.memory_space<vmem>>) dst(%dma_wait3A_44 : memref<10240x128xf32, #tpu.memory_space<vmem_shared>>)
      %add3A_45 = arith.constant 2 : i32
      %add3A_46 = arith.addi %add3A_35, %add3A_45 : i32
      %lt3A = arith.constant 125 : i32
      %lt3A_47 = arith.cmpi slt, %add3A_46, %lt3A : i32
      %convert_element_type3A = arith.extui %lt3A_47 : i1 to i32
      %cond3A = arith.constant 0 : i32
      %cond3A_48 = arith.cmpi ne, %convert_element_type3A, %cond3A : i32
      scf.if %cond3A_48 {
        %add3A_69 = arith.constant 2 : i32
        %add3A_70 = arith.addi %add3A_35, %add3A_69 : i32
        %mul3A_71 = arith.constant 80 : i32
        %mul3A_72 = arith.muli %add3A_70, %mul3A_71 : i32
        %add3A_73 = arith.addi %mul3A_4, %mul3A_72 : i32
        "tpu.region"() ({
          %run_scoped3A = tpu.sem_alloc : memref<!tpu.dma_semaphore, #tpu.memory_space<semaphore_mem>>
          %dma_start3A_77 = tpu.memref_slice %arg3[%add3A_73] : memref<320000xi32, #tpu.memory_space<hbm>> -> memref<80xi32, #tpu.memory_space<hbm>>
          %dma_start3A_78 = tpu.memref_slice %arg3[%add3A_73] : memref<320000xi32, #tpu.memory_space<hbm>> -> memref<80xi32, #tpu.memory_space<hbm>>
          tpu.enqueue_dma source(%dma_start3A_78 : memref<80xi32, #tpu.memory_space<hbm>>) target(%arg8 : memref<80xi32, #tpu.memory_space<vmem>>) target_semaphore(%run_scoped3A : memref<!tpu.dma_semaphore, #tpu.memory_space<semaphore_mem>>)
          %dma_wait3A_79 = tpu.memref_slice %arg3[%add3A_73] : memref<320000xi32, #tpu.memory_space<hbm>> -> memref<80xi32, #tpu.memory_space<hbm>>
          %dma_wait3A_80 = tpu.memref_slice %arg3[%add3A_73] : memref<320000xi32, #tpu.memory_space<hbm>> -> memref<80xi32, #tpu.memory_space<hbm>>
          tpu.wait_dma2 semaphore(%run_scoped3A : memref<!tpu.dma_semaphore, #tpu.memory_space<semaphore_mem>>) src(%dma_wait3A_80 : memref<80xi32, #tpu.memory_space<hbm>>) dst(%arg8 : memref<80xi32, #tpu.memory_space<vmem>>)
          tpu.yield
        }) : () -> ()
        "tpu.region"() ({
          %run_scoped3A = tpu.sem_alloc : memref<!tpu.dma_semaphore, #tpu.memory_space<semaphore_mem>>
          %dma_start3A_77 = tpu.memref_slice %arg4[%add3A_73] : memref<320000xi32, #tpu.memory_space<hbm>> -> memref<80xi32, #tpu.memory_space<hbm>>
          %dma_start3A_78 = tpu.memref_slice %arg4[%add3A_73] : memref<320000xi32, #tpu.memory_space<hbm>> -> memref<80xi32, #tpu.memory_space<hbm>>
          tpu.enqueue_dma source(%dma_start3A_78 : memref<80xi32, #tpu.memory_space<hbm>>) target(%arg10 : memref<80xi32, #tpu.memory_space<vmem>>) target_semaphore(%run_scoped3A : memref<!tpu.dma_semaphore, #tpu.memory_space<semaphore_mem>>)
          %dma_wait3A_79 = tpu.memref_slice %arg4[%add3A_73] : memref<320000xi32, #tpu.memory_space<hbm>> -> memref<80xi32, #tpu.memory_space<hbm>>
          %dma_wait3A_80 = tpu.memref_slice %arg4[%add3A_73] : memref<320000xi32, #tpu.memory_space<hbm>> -> memref<80xi32, #tpu.memory_space<hbm>>
          tpu.wait_dma2 semaphore(%run_scoped3A : memref<!tpu.dma_semaphore, #tpu.memory_space<semaphore_mem>>) src(%dma_wait3A_80 : memref<80xi32, #tpu.memory_space<hbm>>) dst(%arg10 : memref<80xi32, #tpu.memory_space<vmem>>)
          tpu.yield
        }) : () -> ()
        %dma_start3A_74 = arith.constant 0 : i32
        %dma_start3A_75 = arith.constant 0 : i32
        %dma_start3A_76 = tpu.memref_slice %arg2[%dma_start3A_74, %dma_start3A_75] : memref<10000x128xf32, #tpu.memory_space<hbm>> -> memref<10000x128xf32, #tpu.memory_space<hbm>>
        tpu.enqueue_indirect_dma source(%dma_start3A_76 : memref<10000x128xf32, #tpu.memory_space<hbm>>) target(%arg12 : memref<80x128xf32, #tpu.memory_space<vmem>>) offsets(%arg8 : memref<80xi32, #tpu.memory_space<vmem>>) semaphore(%arg14 : memref<!tpu.dma_semaphore, #tpu.memory_space<semaphore_mem>>)
      } else {
      }
      %mul3A_49 = arith.constant 2 : i32
      %mul3A_50 = arith.muli %mul3A_49, %add3A_31 : i32
      %add3A_51 = arith.constant 1 : i32
      %add3A_52 = arith.addi %mul3A_50, %add3A_51 : i32
      %dma_wait3A_53 = arith.constant 0 : i32
      %dma_wait3A_54 = arith.constant 0 : i32
      %dma_wait3A_55 = tpu.memref_slice %arg2[%dma_wait3A_53, %dma_wait3A_54] : memref<10000x128xf32, #tpu.memory_space<hbm>> -> memref<10000x128xf32, #tpu.memory_space<hbm>>
      tpu.wait_indirect_dma semaphore(%arg15 : memref<!tpu.dma_semaphore, #tpu.memory_space<semaphore_mem>>) src(%dma_wait3A_55 : memref<10000x128xf32, #tpu.memory_space<hbm>>) dst(%arg13 : memref<80x128xf32, #tpu.memory_space<vmem>>)
      %dma_start3A_56 = arith.constant 0 : i32
      %dma_start3A_57 = arith.constant 0 : i32
      %dma_start3A_58 = tpu.memref_slice %arg7[%dma_start3A_56, %dma_start3A_57] : memref<10240x128xf32, #tpu.memory_space<vmem_shared>> -> memref<10240x128xf32, #tpu.memory_space<vmem_shared>>
      tpu.enqueue_indirect_dma source(%arg13 : memref<80x128xf32, #tpu.memory_space<vmem>>) target(%dma_start3A_58 : memref<10240x128xf32, #tpu.memory_space<vmem_shared>>) offsets(%arg11 : memref<80xi32, #tpu.memory_space<vmem>>) semaphore(%arg17 : memref<!tpu.dma_semaphore, #tpu.memory_space<semaphore_mem>>) {add = true}
      %dma_wait3A_59 = arith.constant 0 : i32
      %dma_wait3A_60 = arith.constant 0 : i32
      %dma_wait3A_61 = tpu.memref_slice %arg7[%dma_wait3A_59, %dma_wait3A_60] : memref<10240x128xf32, #tpu.memory_space<vmem_shared>> -> memref<10240x128xf32, #tpu.memory_space<vmem_shared>>
      tpu.wait_indirect_dma semaphore(%arg17 : memref<!tpu.dma_semaphore, #tpu.memory_space<semaphore_mem>>) src(%arg13 : memref<80x128xf32, #tpu.memory_space<vmem>>) dst(%dma_wait3A_61 : memref<10240x128xf32, #tpu.memory_space<vmem_shared>>)
      %add3A_62 = arith.constant 2 : i32
      %add3A_63 = arith.addi %add3A_52, %add3A_62 : i32
      %lt3A_64 = arith.constant 125 : i32
      %lt3A_65 = arith.cmpi slt, %add3A_63, %lt3A_64 : i32
      %convert_element_type3A_66 = arith.extui %lt3A_65 : i1 to i32
      %cond3A_67 = arith.constant 0 : i32
      %cond3A_68 = arith.cmpi ne, %convert_element_type3A_66, %cond3A_67 : i32
      scf.if %cond3A_68 {
        %add3A_69 = arith.constant 2 : i32
        %add3A_70 = arith.addi %add3A_52, %add3A_69 : i32
        %mul3A_71 = arith.constant 80 : i32
        %mul3A_72 = arith.muli %add3A_70, %mul3A_71 : i32
        %add3A_73 = arith.addi %mul3A_4, %mul3A_72 : i32
        "tpu.region"() ({
          %run_scoped3A = tpu.sem_alloc : memref<!tpu.dma_semaphore, #tpu.memory_space<semaphore_mem>>
          %dma_start3A_77 = tpu.memref_slice %arg3[%add3A_73] : memref<320000xi32, #tpu.memory_space<hbm>> -> memref<80xi32, #tpu.memory_space<hbm>>
          %dma_start3A_78 = tpu.memref_slice %arg3[%add3A_73] : memref<320000xi32, #tpu.memory_space<hbm>> -> memref<80xi32, #tpu.memory_space<hbm>>
          tpu.enqueue_dma source(%dma_start3A_78 : memref<80xi32, #tpu.memory_space<hbm>>) target(%arg9 : memref<80xi32, #tpu.memory_space<vmem>>) target_semaphore(%run_scoped3A : memref<!tpu.dma_semaphore, #tpu.memory_space<semaphore_mem>>)
          %dma_wait3A_79 = tpu.memref_slice %arg3[%add3A_73] : memref<320000xi32, #tpu.memory_space<hbm>> -> memref<80xi32, #tpu.memory_space<hbm>>
          %dma_wait3A_80 = tpu.memref_slice %arg3[%add3A_73] : memref<320000xi32, #tpu.memory_space<hbm>> -> memref<80xi32, #tpu.memory_space<hbm>>
          tpu.wait_dma2 semaphore(%run_scoped3A : memref<!tpu.dma_semaphore, #tpu.memory_space<semaphore_mem>>) src(%dma_wait3A_80 : memref<80xi32, #tpu.memory_space<hbm>>) dst(%arg9 : memref<80xi32, #tpu.memory_space<vmem>>)
          tpu.yield
        }) : () -> ()
        "tpu.region"() ({
          %run_scoped3A = tpu.sem_alloc : memref<!tpu.dma_semaphore, #tpu.memory_space<semaphore_mem>>
          %dma_start3A_77 = tpu.memref_slice %arg4[%add3A_73] : memref<320000xi32, #tpu.memory_space<hbm>> -> memref<80xi32, #tpu.memory_space<hbm>>
          %dma_start3A_78 = tpu.memref_slice %arg4[%add3A_73] : memref<320000xi32, #tpu.memory_space<hbm>> -> memref<80xi32, #tpu.memory_space<hbm>>
          tpu.enqueue_dma source(%dma_start3A_78 : memref<80xi32, #tpu.memory_space<hbm>>) target(%arg11 : memref<80xi32, #tpu.memory_space<vmem>>) target_semaphore(%run_scoped3A : memref<!tpu.dma_semaphore, #tpu.memory_space<semaphore_mem>>)
          %dma_wait3A_79 = tpu.memref_slice %arg4[%add3A_73] : memref<320000xi32, #tpu.memory_space<hbm>> -> memref<80xi32, #tpu.memory_space<hbm>>
          %dma_wait3A_80 = tpu.memref_slice %arg4[%add3A_73] : memref<320000xi32, #tpu.memory_space<hbm>> -> memref<80xi32, #tpu.memory_space<hbm>>
          tpu.wait_dma2 semaphore(%run_scoped3A : memref<!tpu.dma_semaphore, #tpu.memory_space<semaphore_mem>>) src(%dma_wait3A_80 : memref<80xi32, #tpu.memory_space<hbm>>) dst(%arg11 : memref<80xi32, #tpu.memory_space<vmem>>)
          tpu.yield
        }) : () -> ()
        %dma_start3A_74 = arith.constant 0 : i32
        %dma_start3A_75 = arith.constant 0 : i32
        %dma_start3A_76 = tpu.memref_slice %arg2[%dma_start3A_74, %dma_start3A_75] : memref<10000x128xf32, #tpu.memory_space<hbm>> -> memref<10000x128xf32, #tpu.memory_space<hbm>>
        tpu.enqueue_indirect_dma source(%dma_start3A_76 : memref<10000x128xf32, #tpu.memory_space<hbm>>) target(%arg13 : memref<80x128xf32, #tpu.memory_space<vmem>>) offsets(%arg9 : memref<80xi32, #tpu.memory_space<vmem>>) semaphore(%arg15 : memref<!tpu.dma_semaphore, #tpu.memory_space<semaphore_mem>>)
      } else {
      }
    }
    %scan3A_17 = arith.constant 62 : i32
    %dma_wait3A = arith.constant 0 : i32
    %dma_wait3A_18 = arith.constant 0 : i32
    %dma_wait3A_19 = tpu.memref_slice %arg2[%dma_wait3A, %dma_wait3A_18] : memref<10000x128xf32, #tpu.memory_space<hbm>> -> memref<10000x128xf32, #tpu.memory_space<hbm>>
    tpu.wait_indirect_dma semaphore(%arg14 : memref<!tpu.dma_semaphore, #tpu.memory_space<semaphore_mem>>) src(%dma_wait3A_19 : memref<10000x128xf32, #tpu.memory_space<hbm>>) dst(%arg12 : memref<80x128xf32, #tpu.memory_space<vmem>>)
    %dma_start3A_20 = arith.constant 0 : i32
    %dma_start3A_21 = arith.constant 0 : i32
    %dma_start3A_22 = tpu.memref_slice %arg7[%dma_start3A_20, %dma_start3A_21] : memref<10240x128xf32, #tpu.memory_space<vmem_shared>> -> memref<10240x128xf32, #tpu.memory_space<vmem_shared>>
    tpu.enqueue_indirect_dma source(%arg12 : memref<80x128xf32, #tpu.memory_space<vmem>>) target(%dma_start3A_22 : memref<10240x128xf32, #tpu.memory_space<vmem_shared>>) offsets(%arg10 : memref<80xi32, #tpu.memory_space<vmem>>) semaphore(%arg16 : memref<!tpu.dma_semaphore, #tpu.memory_space<semaphore_mem>>) {add = true}
    %dma_wait3A_23 = arith.constant 0 : i32
    %dma_wait3A_24 = arith.constant 0 : i32
    %dma_wait3A_25 = tpu.memref_slice %arg7[%dma_wait3A_23, %dma_wait3A_24] : memref<10240x128xf32, #tpu.memory_space<vmem_shared>> -> memref<10240x128xf32, #tpu.memory_space<vmem_shared>>
    tpu.wait_indirect_dma semaphore(%arg16 : memref<!tpu.dma_semaphore, #tpu.memory_space<semaphore_mem>>) src(%arg12 : memref<80x128xf32, #tpu.memory_space<vmem>>) dst(%dma_wait3A_25 : memref<10240x128xf32, #tpu.memory_space<vmem_shared>>)
    %barrier3A_26 = arith.constant 0 : index
    tpu.barrier barrier_id(%barrier3A_26)
    "tpu.region"() ({
      %run_scoped3A = tpu.sem_alloc : memref<!tpu.dma_semaphore, #tpu.memory_space<semaphore_mem>>
      %dma_start3A_27 = arith.constant 0 : i32
      %dma_start3A_28 = tpu.memref_slice %arg6[%arg0, %mul3A_2, %dma_start3A_27] : memref<2x10240x128xf32, #tpu.memory_space<hbm>> -> memref<1x640x128xf32, #tpu.memory_space<hbm>>
      %dma_start3A_29 = tpu.memref_squeeze %dma_start3A_28 : memref<1x640x128xf32, #tpu.memory_space<hbm>> -> memref<640x128xf32, #tpu.memory_space<hbm>>
      %dma_start3A_30 = arith.constant 0 : i32
      %dma_start3A_31 = tpu.memref_slice %arg7[%mul3A_2, %dma_start3A_30] : memref<10240x128xf32, #tpu.memory_space<vmem_shared>> -> memref<640x128xf32, #tpu.memory_space<vmem_shared>>
      tpu.enqueue_dma source(%dma_start3A_31 : memref<640x128xf32, #tpu.memory_space<vmem_shared>>) target(%dma_start3A_29 : memref<640x128xf32, #tpu.memory_space<hbm>>) target_semaphore(%run_scoped3A : memref<!tpu.dma_semaphore, #tpu.memory_space<semaphore_mem>>)
      %dma_wait3A_32 = arith.constant 0 : i32
      %dma_wait3A_33 = tpu.memref_slice %arg6[%arg0, %mul3A_2, %dma_wait3A_32] : memref<2x10240x128xf32, #tpu.memory_space<hbm>> -> memref<1x640x128xf32, #tpu.memory_space<hbm>>
      %dma_wait3A_34 = tpu.memref_squeeze %dma_wait3A_33 : memref<1x640x128xf32, #tpu.memory_space<hbm>> -> memref<640x128xf32, #tpu.memory_space<hbm>>
      %dma_wait3A_35 = arith.constant 0 : i32
      %dma_wait3A_36 = tpu.memref_slice %arg7[%mul3A_2, %dma_wait3A_35] : memref<10240x128xf32, #tpu.memory_space<vmem_shared>> -> memref<640x128xf32, #tpu.memory_space<vmem_shared>>
      tpu.wait_dma2 semaphore(%run_scoped3A : memref<!tpu.dma_semaphore, #tpu.memory_space<semaphore_mem>>) src(%dma_wait3A_36 : memref<640x128xf32, #tpu.memory_space<vmem_shared>>) dst(%dma_wait3A_34 : memref<640x128xf32, #tpu.memory_space<hbm>>)
      tpu.yield
    }) : () -> ()
    return
  }
}

#map = affine_map<(d0, d1) -> (0, 0)>
#map1 = affine_map<(d0, d1) -> (0)>
#map2 = affine_map<(d0, d1) -> (0, 0, 0)>
module attributes {stable_mosaic.version = 14 : i64} {
  func.func @k(%arg0: i32, %arg1: i32, %arg2: memref<320000x128xf32, #tpu.memory_space<hbm>>, %arg3: memref<320000xi32, #tpu.memory_space<hbm>>, %arg4: memref<640x128xf32, #tpu.memory_space<hbm>>, %arg5: memref<2x10240x128xf32, #tpu.memory_space<hbm>>, %arg6: memref<10240x128xf32, #tpu.memory_space<vmem_shared>>, %arg7: memref<80xi32, #tpu.memory_space<vmem>>, %arg8: memref<80xi32, #tpu.memory_space<vmem>>, %arg9: memref<80x128xf32, #tpu.memory_space<vmem>>, %arg10: memref<80x128xf32, #tpu.memory_space<vmem>>, %arg11: memref<!tpu.dma_semaphore, #tpu.memory_space<semaphore_mem>>, %arg12: memref<!tpu.dma_semaphore, #tpu.memory_space<semaphore_mem>>, %arg13: memref<!tpu.dma_semaphore, #tpu.memory_space<semaphore_mem>>, %arg14: memref<!tpu.dma_semaphore, #tpu.memory_space<semaphore_mem>>) attributes {dimension_semantics = [#tpu.dimension_semantics<core_parallel>, #tpu.dimension_semantics<subcore_parallel>], iteration_bounds = array<i64: 2, 16>, scalar_prefetch = 0 : i64, scratch_operands = 9 : i64, tpu.core_type = #tpu.core_type<sc_vector_subcore>, window_params = [{transform_indices = #map}, {transform_indices = #map1}, {transform_indices = #map}, {transform_indices = #map2}]} {
    %mul3A = arith.constant 16 : i32
    %mul3A_0 = arith.muli %arg0, %mul3A : i32
    %add3A = arith.addi %mul3A_0, %arg1 : i32
    %mul3A_1 = arith.constant 640 : i32
    %mul3A_2 = arith.muli %arg1, %mul3A_1 : i32
    "tpu.region"() ({
      %run_scoped3A = tpu.sem_alloc : memref<!tpu.dma_semaphore, #tpu.memory_space<semaphore_mem>>
      %dma_start3A_30 = arith.constant 0 : i32
      %dma_start3A_31 = tpu.memref_slice %arg6[%mul3A_2, %dma_start3A_30] : memref<10240x128xf32, #tpu.memory_space<vmem_shared>> -> memref<640x128xf32, #tpu.memory_space<vmem_shared>>
      tpu.enqueue_dma source(%arg4 : memref<640x128xf32, #tpu.memory_space<hbm>>) target(%dma_start3A_31 : memref<640x128xf32, #tpu.memory_space<vmem_shared>>) target_semaphore(%run_scoped3A : memref<!tpu.dma_semaphore, #tpu.memory_space<semaphore_mem>>)
      %dma_wait3A_32 = arith.constant 0 : i32
      %dma_wait3A_33 = tpu.memref_slice %arg6[%mul3A_2, %dma_wait3A_32] : memref<10240x128xf32, #tpu.memory_space<vmem_shared>> -> memref<640x128xf32, #tpu.memory_space<vmem_shared>>
      tpu.wait_dma2 semaphore(%run_scoped3A : memref<!tpu.dma_semaphore, #tpu.memory_space<semaphore_mem>>) src(%arg4 : memref<640x128xf32, #tpu.memory_space<hbm>>) dst(%dma_wait3A_33 : memref<640x128xf32, #tpu.memory_space<vmem_shared>>)
      tpu.yield
    }) : () -> ()
    %barrier3A = arith.constant 0 : index
    tpu.barrier barrier_id(%barrier3A)
    %mul3A_3 = arith.constant 10000 : i32
    %mul3A_4 = arith.muli %add3A, %mul3A_3 : i32
    %add3A_5 = arith.constant 0 : i32
    %add3A_6 = arith.addi %mul3A_4, %add3A_5 : i32
    "tpu.region"() ({
      %run_scoped3A = tpu.sem_alloc : memref<!tpu.dma_semaphore, #tpu.memory_space<semaphore_mem>>
      %dma_start3A_30 = tpu.memref_slice %arg3[%add3A_6] : memref<320000xi32, #tpu.memory_space<hbm>> -> memref<80xi32, #tpu.memory_space<hbm>>
      %dma_start3A_31 = tpu.memref_slice %arg3[%add3A_6] : memref<320000xi32, #tpu.memory_space<hbm>> -> memref<80xi32, #tpu.memory_space<hbm>>
      tpu.enqueue_dma source(%dma_start3A_31 : memref<80xi32, #tpu.memory_space<hbm>>) target(%arg7 : memref<80xi32, #tpu.memory_space<vmem>>) target_semaphore(%run_scoped3A : memref<!tpu.dma_semaphore, #tpu.memory_space<semaphore_mem>>)
      %dma_wait3A_32 = tpu.memref_slice %arg3[%add3A_6] : memref<320000xi32, #tpu.memory_space<hbm>> -> memref<80xi32, #tpu.memory_space<hbm>>
      %dma_wait3A_33 = tpu.memref_slice %arg3[%add3A_6] : memref<320000xi32, #tpu.memory_space<hbm>> -> memref<80xi32, #tpu.memory_space<hbm>>
      tpu.wait_dma2 semaphore(%run_scoped3A : memref<!tpu.dma_semaphore, #tpu.memory_space<semaphore_mem>>) src(%dma_wait3A_33 : memref<80xi32, #tpu.memory_space<hbm>>) dst(%arg7 : memref<80xi32, #tpu.memory_space<vmem>>)
      tpu.yield
    }) : () -> ()
    %dma_start3A = arith.constant 0 : i32
    %dma_start3A_7 = tpu.memref_slice %arg2[%add3A_6, %dma_start3A] : memref<320000x128xf32, #tpu.memory_space<hbm>> -> memref<80x128xf32, #tpu.memory_space<hbm>>
    %dma_start3A_8 = arith.constant 0 : i32
    %dma_start3A_9 = tpu.memref_slice %arg2[%add3A_6, %dma_start3A_8] : memref<320000x128xf32, #tpu.memory_space<hbm>> -> memref<80x128xf32, #tpu.memory_space<hbm>>
    tpu.enqueue_dma source(%dma_start3A_9 : memref<80x128xf32, #tpu.memory_space<hbm>>) target(%arg9 : memref<80x128xf32, #tpu.memory_space<vmem>>) target_semaphore(%arg11 : memref<!tpu.dma_semaphore, #tpu.memory_space<semaphore_mem>>)
    %add3A_10 = arith.constant 80 : i32
    %add3A_11 = arith.addi %mul3A_4, %add3A_10 : i32
    "tpu.region"() ({
      %run_scoped3A = tpu.sem_alloc : memref<!tpu.dma_semaphore, #tpu.memory_space<semaphore_mem>>
      %dma_start3A_30 = tpu.memref_slice %arg3[%add3A_11] : memref<320000xi32, #tpu.memory_space<hbm>> -> memref<80xi32, #tpu.memory_space<hbm>>
      %dma_start3A_31 = tpu.memref_slice %arg3[%add3A_11] : memref<320000xi32, #tpu.memory_space<hbm>> -> memref<80xi32, #tpu.memory_space<hbm>>
      tpu.enqueue_dma source(%dma_start3A_31 : memref<80xi32, #tpu.memory_space<hbm>>) target(%arg8 : memref<80xi32, #tpu.memory_space<vmem>>) target_semaphore(%run_scoped3A : memref<!tpu.dma_semaphore, #tpu.memory_space<semaphore_mem>>)
      %dma_wait3A_32 = tpu.memref_slice %arg3[%add3A_11] : memref<320000xi32, #tpu.memory_space<hbm>> -> memref<80xi32, #tpu.memory_space<hbm>>
      %dma_wait3A_33 = tpu.memref_slice %arg3[%add3A_11] : memref<320000xi32, #tpu.memory_space<hbm>> -> memref<80xi32, #tpu.memory_space<hbm>>
      tpu.wait_dma2 semaphore(%run_scoped3A : memref<!tpu.dma_semaphore, #tpu.memory_space<semaphore_mem>>) src(%dma_wait3A_33 : memref<80xi32, #tpu.memory_space<hbm>>) dst(%arg8 : memref<80xi32, #tpu.memory_space<vmem>>)
      tpu.yield
    }) : () -> ()
    %dma_start3A_12 = arith.constant 0 : i32
    %dma_start3A_13 = tpu.memref_slice %arg2[%add3A_11, %dma_start3A_12] : memref<320000x128xf32, #tpu.memory_space<hbm>> -> memref<80x128xf32, #tpu.memory_space<hbm>>
    %dma_start3A_14 = arith.constant 0 : i32
    %dma_start3A_15 = tpu.memref_slice %arg2[%add3A_11, %dma_start3A_14] : memref<320000x128xf32, #tpu.memory_space<hbm>> -> memref<80x128xf32, #tpu.memory_space<hbm>>
    tpu.enqueue_dma source(%dma_start3A_15 : memref<80x128xf32, #tpu.memory_space<hbm>>) target(%arg10 : memref<80x128xf32, #tpu.memory_space<vmem>>) target_semaphore(%arg12 : memref<!tpu.dma_semaphore, #tpu.memory_space<semaphore_mem>>)
    %scan3A = arith.constant 0 : i32
    %scan3A_16 = arith.constant 62 : i32
    %scan3A_17 = arith.addi %scan3A, %scan3A_16 : i32
    %scan3A_18 = arith.constant 1 : i32
    scf.for %scan3A_30 = %scan3A to %scan3A_17 step %scan3A_18  : i32 {
      %mul3A_31 = arith.constant 1 : i32
      %mul3A_32 = arith.muli %scan3A_30, %mul3A_31 : i32
      %add3A_33 = arith.constant 0 : i32
      %add3A_34 = arith.addi %add3A_33, %mul3A_32 : i32
      %mul3A_35 = arith.constant 2 : i32
      %mul3A_36 = arith.muli %mul3A_35, %add3A_34 : i32
      %add3A_37 = arith.constant 0 : i32
      %add3A_38 = arith.addi %mul3A_36, %add3A_37 : i32
      %dma_wait3A_39 = arith.constant 0 : i32
      %dma_wait3A_40 = tpu.memref_slice %arg2[%mul3A_4, %dma_wait3A_39] : memref<320000x128xf32, #tpu.memory_space<hbm>> -> memref<80x128xf32, #tpu.memory_space<hbm>>
      %dma_wait3A_41 = arith.constant 0 : i32
      %dma_wait3A_42 = tpu.memref_slice %arg2[%mul3A_4, %dma_wait3A_41] : memref<320000x128xf32, #tpu.memory_space<hbm>> -> memref<80x128xf32, #tpu.memory_space<hbm>>
      tpu.wait_dma2 semaphore(%arg11 : memref<!tpu.dma_semaphore, #tpu.memory_space<semaphore_mem>>) src(%dma_wait3A_42 : memref<80x128xf32, #tpu.memory_space<hbm>>) dst(%arg9 : memref<80x128xf32, #tpu.memory_space<vmem>>)
      %dma_start3A_43 = arith.constant 0 : i32
      %dma_start3A_44 = arith.constant 0 : i32
      %dma_start3A_45 = tpu.memref_slice %arg6[%dma_start3A_43, %dma_start3A_44] : memref<10240x128xf32, #tpu.memory_space<vmem_shared>> -> memref<10240x128xf32, #tpu.memory_space<vmem_shared>>
      tpu.enqueue_indirect_dma source(%arg9 : memref<80x128xf32, #tpu.memory_space<vmem>>) target(%dma_start3A_45 : memref<10240x128xf32, #tpu.memory_space<vmem_shared>>) offsets(%arg7 : memref<80xi32, #tpu.memory_space<vmem>>) semaphore(%arg13 : memref<!tpu.dma_semaphore, #tpu.memory_space<semaphore_mem>>) {add = true}
      %dma_wait3A_46 = arith.constant 0 : i32
      %dma_wait3A_47 = arith.constant 0 : i32
      %dma_wait3A_48 = tpu.memref_slice %arg6[%dma_wait3A_46, %dma_wait3A_47] : memref<10240x128xf32, #tpu.memory_space<vmem_shared>> -> memref<10240x128xf32, #tpu.memory_space<vmem_shared>>
      tpu.wait_indirect_dma semaphore(%arg13 : memref<!tpu.dma_semaphore, #tpu.memory_space<semaphore_mem>>) src(%arg9 : memref<80x128xf32, #tpu.memory_space<vmem>>) dst(%dma_wait3A_48 : memref<10240x128xf32, #tpu.memory_space<vmem_shared>>)
      %add3A_49 = arith.constant 2 : i32
      %add3A_50 = arith.addi %add3A_38, %add3A_49 : i32
      %lt3A = arith.constant 125 : i32
      %lt3A_51 = arith.cmpi slt, %add3A_50, %lt3A : i32
      %convert_element_type3A = arith.extui %lt3A_51 : i1 to i32
      %cond3A = arith.constant 0 : i32
      %cond3A_52 = arith.cmpi ne, %convert_element_type3A, %cond3A : i32
      scf.if %cond3A_52 {
        %add3A_74 = arith.constant 2 : i32
        %add3A_75 = arith.addi %add3A_38, %add3A_74 : i32
        %mul3A_76 = arith.constant 80 : i32
        %mul3A_77 = arith.muli %add3A_75, %mul3A_76 : i32
        %add3A_78 = arith.addi %mul3A_4, %mul3A_77 : i32
        "tpu.region"() ({
          %run_scoped3A = tpu.sem_alloc : memref<!tpu.dma_semaphore, #tpu.memory_space<semaphore_mem>>
          %dma_start3A_83 = tpu.memref_slice %arg3[%add3A_78] : memref<320000xi32, #tpu.memory_space<hbm>> -> memref<80xi32, #tpu.memory_space<hbm>>
          %dma_start3A_84 = tpu.memref_slice %arg3[%add3A_78] : memref<320000xi32, #tpu.memory_space<hbm>> -> memref<80xi32, #tpu.memory_space<hbm>>
          tpu.enqueue_dma source(%dma_start3A_84 : memref<80xi32, #tpu.memory_space<hbm>>) target(%arg7 : memref<80xi32, #tpu.memory_space<vmem>>) target_semaphore(%run_scoped3A : memref<!tpu.dma_semaphore, #tpu.memory_space<semaphore_mem>>)
          %dma_wait3A_85 = tpu.memref_slice %arg3[%add3A_78] : memref<320000xi32, #tpu.memory_space<hbm>> -> memref<80xi32, #tpu.memory_space<hbm>>
          %dma_wait3A_86 = tpu.memref_slice %arg3[%add3A_78] : memref<320000xi32, #tpu.memory_space<hbm>> -> memref<80xi32, #tpu.memory_space<hbm>>
          tpu.wait_dma2 semaphore(%run_scoped3A : memref<!tpu.dma_semaphore, #tpu.memory_space<semaphore_mem>>) src(%dma_wait3A_86 : memref<80xi32, #tpu.memory_space<hbm>>) dst(%arg7 : memref<80xi32, #tpu.memory_space<vmem>>)
          tpu.yield
        }) : () -> ()
        %dma_start3A_79 = arith.constant 0 : i32
        %dma_start3A_80 = tpu.memref_slice %arg2[%add3A_78, %dma_start3A_79] : memref<320000x128xf32, #tpu.memory_space<hbm>> -> memref<80x128xf32, #tpu.memory_space<hbm>>
        %dma_start3A_81 = arith.constant 0 : i32
        %dma_start3A_82 = tpu.memref_slice %arg2[%add3A_78, %dma_start3A_81] : memref<320000x128xf32, #tpu.memory_space<hbm>> -> memref<80x128xf32, #tpu.memory_space<hbm>>
        tpu.enqueue_dma source(%dma_start3A_82 : memref<80x128xf32, #tpu.memory_space<hbm>>) target(%arg9 : memref<80x128xf32, #tpu.memory_space<vmem>>) target_semaphore(%arg11 : memref<!tpu.dma_semaphore, #tpu.memory_space<semaphore_mem>>)
      } else {
      }
      %mul3A_53 = arith.constant 2 : i32
      %mul3A_54 = arith.muli %mul3A_53, %add3A_34 : i32
      %add3A_55 = arith.constant 1 : i32
      %add3A_56 = arith.addi %mul3A_54, %add3A_55 : i32
      %dma_wait3A_57 = arith.constant 0 : i32
      %dma_wait3A_58 = tpu.memref_slice %arg2[%mul3A_4, %dma_wait3A_57] : memref<320000x128xf32, #tpu.memory_space<hbm>> -> memref<80x128xf32, #tpu.memory_space<hbm>>
      %dma_wait3A_59 = arith.constant 0 : i32
      %dma_wait3A_60 = tpu.memref_slice %arg2[%mul3A_4, %dma_wait3A_59] : memref<320000x128xf32, #tpu.memory_space<hbm>> -> memref<80x128xf32, #tpu.memory_space<hbm>>
      tpu.wait_dma2 semaphore(%arg12 : memref<!tpu.dma_semaphore, #tpu.memory_space<semaphore_mem>>) src(%dma_wait3A_60 : memref<80x128xf32, #tpu.memory_space<hbm>>) dst(%arg10 : memref<80x128xf32, #tpu.memory_space<vmem>>)
      %dma_start3A_61 = arith.constant 0 : i32
      %dma_start3A_62 = arith.constant 0 : i32
      %dma_start3A_63 = tpu.memref_slice %arg6[%dma_start3A_61, %dma_start3A_62] : memref<10240x128xf32, #tpu.memory_space<vmem_shared>> -> memref<10240x128xf32, #tpu.memory_space<vmem_shared>>
      tpu.enqueue_indirect_dma source(%arg10 : memref<80x128xf32, #tpu.memory_space<vmem>>) target(%dma_start3A_63 : memref<10240x128xf32, #tpu.memory_space<vmem_shared>>) offsets(%arg8 : memref<80xi32, #tpu.memory_space<vmem>>) semaphore(%arg14 : memref<!tpu.dma_semaphore, #tpu.memory_space<semaphore_mem>>) {add = true}
      %dma_wait3A_64 = arith.constant 0 : i32
      %dma_wait3A_65 = arith.constant 0 : i32
      %dma_wait3A_66 = tpu.memref_slice %arg6[%dma_wait3A_64, %dma_wait3A_65] : memref<10240x128xf32, #tpu.memory_space<vmem_shared>> -> memref<10240x128xf32, #tpu.memory_space<vmem_shared>>
      tpu.wait_indirect_dma semaphore(%arg14 : memref<!tpu.dma_semaphore, #tpu.memory_space<semaphore_mem>>) src(%arg10 : memref<80x128xf32, #tpu.memory_space<vmem>>) dst(%dma_wait3A_66 : memref<10240x128xf32, #tpu.memory_space<vmem_shared>>)
      %add3A_67 = arith.constant 2 : i32
      %add3A_68 = arith.addi %add3A_56, %add3A_67 : i32
      %lt3A_69 = arith.constant 125 : i32
      %lt3A_70 = arith.cmpi slt, %add3A_68, %lt3A_69 : i32
      %convert_element_type3A_71 = arith.extui %lt3A_70 : i1 to i32
      %cond3A_72 = arith.constant 0 : i32
      %cond3A_73 = arith.cmpi ne, %convert_element_type3A_71, %cond3A_72 : i32
      scf.if %cond3A_73 {
        %add3A_74 = arith.constant 2 : i32
        %add3A_75 = arith.addi %add3A_56, %add3A_74 : i32
        %mul3A_76 = arith.constant 80 : i32
        %mul3A_77 = arith.muli %add3A_75, %mul3A_76 : i32
        %add3A_78 = arith.addi %mul3A_4, %mul3A_77 : i32
        "tpu.region"() ({
          %run_scoped3A = tpu.sem_alloc : memref<!tpu.dma_semaphore, #tpu.memory_space<semaphore_mem>>
          %dma_start3A_83 = tpu.memref_slice %arg3[%add3A_78] : memref<320000xi32, #tpu.memory_space<hbm>> -> memref<80xi32, #tpu.memory_space<hbm>>
          %dma_start3A_84 = tpu.memref_slice %arg3[%add3A_78] : memref<320000xi32, #tpu.memory_space<hbm>> -> memref<80xi32, #tpu.memory_space<hbm>>
          tpu.enqueue_dma source(%dma_start3A_84 : memref<80xi32, #tpu.memory_space<hbm>>) target(%arg8 : memref<80xi32, #tpu.memory_space<vmem>>) target_semaphore(%run_scoped3A : memref<!tpu.dma_semaphore, #tpu.memory_space<semaphore_mem>>)
          %dma_wait3A_85 = tpu.memref_slice %arg3[%add3A_78] : memref<320000xi32, #tpu.memory_space<hbm>> -> memref<80xi32, #tpu.memory_space<hbm>>
          %dma_wait3A_86 = tpu.memref_slice %arg3[%add3A_78] : memref<320000xi32, #tpu.memory_space<hbm>> -> memref<80xi32, #tpu.memory_space<hbm>>
          tpu.wait_dma2 semaphore(%run_scoped3A : memref<!tpu.dma_semaphore, #tpu.memory_space<semaphore_mem>>) src(%dma_wait3A_86 : memref<80xi32, #tpu.memory_space<hbm>>) dst(%arg8 : memref<80xi32, #tpu.memory_space<vmem>>)
          tpu.yield
        }) : () -> ()
        %dma_start3A_79 = arith.constant 0 : i32
        %dma_start3A_80 = tpu.memref_slice %arg2[%add3A_78, %dma_start3A_79] : memref<320000x128xf32, #tpu.memory_space<hbm>> -> memref<80x128xf32, #tpu.memory_space<hbm>>
        %dma_start3A_81 = arith.constant 0 : i32
        %dma_start3A_82 = tpu.memref_slice %arg2[%add3A_78, %dma_start3A_81] : memref<320000x128xf32, #tpu.memory_space<hbm>> -> memref<80x128xf32, #tpu.memory_space<hbm>>
        tpu.enqueue_dma source(%dma_start3A_82 : memref<80x128xf32, #tpu.memory_space<hbm>>) target(%arg10 : memref<80x128xf32, #tpu.memory_space<vmem>>) target_semaphore(%arg12 : memref<!tpu.dma_semaphore, #tpu.memory_space<semaphore_mem>>)
      } else {
      }
    }
    %scan3A_19 = arith.constant 62 : i32
    %dma_wait3A = arith.constant 0 : i32
    %dma_wait3A_20 = tpu.memref_slice %arg2[%mul3A_4, %dma_wait3A] : memref<320000x128xf32, #tpu.memory_space<hbm>> -> memref<80x128xf32, #tpu.memory_space<hbm>>
    %dma_wait3A_21 = arith.constant 0 : i32
    %dma_wait3A_22 = tpu.memref_slice %arg2[%mul3A_4, %dma_wait3A_21] : memref<320000x128xf32, #tpu.memory_space<hbm>> -> memref<80x128xf32, #tpu.memory_space<hbm>>
    tpu.wait_dma2 semaphore(%arg11 : memref<!tpu.dma_semaphore, #tpu.memory_space<semaphore_mem>>) src(%dma_wait3A_22 : memref<80x128xf32, #tpu.memory_space<hbm>>) dst(%arg9 : memref<80x128xf32, #tpu.memory_space<vmem>>)
    %dma_start3A_23 = arith.constant 0 : i32
    %dma_start3A_24 = arith.constant 0 : i32
    %dma_start3A_25 = tpu.memref_slice %arg6[%dma_start3A_23, %dma_start3A_24] : memref<10240x128xf32, #tpu.memory_space<vmem_shared>> -> memref<10240x128xf32, #tpu.memory_space<vmem_shared>>
    tpu.enqueue_indirect_dma source(%arg9 : memref<80x128xf32, #tpu.memory_space<vmem>>) target(%dma_start3A_25 : memref<10240x128xf32, #tpu.memory_space<vmem_shared>>) offsets(%arg7 : memref<80xi32, #tpu.memory_space<vmem>>) semaphore(%arg13 : memref<!tpu.dma_semaphore, #tpu.memory_space<semaphore_mem>>) {add = true}
    %dma_wait3A_26 = arith.constant 0 : i32
    %dma_wait3A_27 = arith.constant 0 : i32
    %dma_wait3A_28 = tpu.memref_slice %arg6[%dma_wait3A_26, %dma_wait3A_27] : memref<10240x128xf32, #tpu.memory_space<vmem_shared>> -> memref<10240x128xf32, #tpu.memory_space<vmem_shared>>
    tpu.wait_indirect_dma semaphore(%arg13 : memref<!tpu.dma_semaphore, #tpu.memory_space<semaphore_mem>>) src(%arg9 : memref<80x128xf32, #tpu.memory_space<vmem>>) dst(%dma_wait3A_28 : memref<10240x128xf32, #tpu.memory_space<vmem_shared>>)
    %barrier3A_29 = arith.constant 0 : index
    tpu.barrier barrier_id(%barrier3A_29)
    "tpu.region"() ({
      %run_scoped3A = tpu.sem_alloc : memref<!tpu.dma_semaphore, #tpu.memory_space<semaphore_mem>>
      %dma_start3A_30 = arith.constant 0 : i32
      %dma_start3A_31 = tpu.memref_slice %arg5[%arg0, %mul3A_2, %dma_start3A_30] : memref<2x10240x128xf32, #tpu.memory_space<hbm>> -> memref<1x640x128xf32, #tpu.memory_space<hbm>>
      %dma_start3A_32 = tpu.memref_squeeze %dma_start3A_31 : memref<1x640x128xf32, #tpu.memory_space<hbm>> -> memref<640x128xf32, #tpu.memory_space<hbm>>
      %dma_start3A_33 = arith.constant 0 : i32
      %dma_start3A_34 = tpu.memref_slice %arg6[%mul3A_2, %dma_start3A_33] : memref<10240x128xf32, #tpu.memory_space<vmem_shared>> -> memref<640x128xf32, #tpu.memory_space<vmem_shared>>
      tpu.enqueue_dma source(%dma_start3A_34 : memref<640x128xf32, #tpu.memory_space<vmem_shared>>) target(%dma_start3A_32 : memref<640x128xf32, #tpu.memory_space<hbm>>) target_semaphore(%run_scoped3A : memref<!tpu.dma_semaphore, #tpu.memory_space<semaphore_mem>>)
      %dma_wait3A_35 = arith.constant 0 : i32
      %dma_wait3A_36 = tpu.memref_slice %arg5[%arg0, %mul3A_2, %dma_wait3A_35] : memref<2x10240x128xf32, #tpu.memory_space<hbm>> -> memref<1x640x128xf32, #tpu.memory_space<hbm>>
      %dma_wait3A_37 = tpu.memref_squeeze %dma_wait3A_36 : memref<1x640x128xf32, #tpu.memory_space<hbm>> -> memref<640x128xf32, #tpu.memory_space<hbm>>
      %dma_wait3A_38 = arith.constant 0 : i32
      %dma_wait3A_39 = tpu.memref_slice %arg6[%mul3A_2, %dma_wait3A_38] : memref<10240x128xf32, #tpu.memory_space<vmem_shared>> -> memref<640x128xf32, #tpu.memory_space<vmem_shared>>
      tpu.wait_dma2 semaphore(%run_scoped3A : memref<!tpu.dma_semaphore, #tpu.memory_space<semaphore_mem>>) src(%dma_wait3A_39 : memref<640x128xf32, #tpu.memory_space<vmem_shared>>) dst(%dma_wait3A_37 : memref<640x128xf32, #tpu.memory_space<hbm>>)
      tpu.yield
    }) : () -> ()
    return
  }
}

module attributes {stable_mosaic.version = 14 : i64} {
  func.func @body(%arg0: i32, %arg1: memref<1000x128xf32, #tpu.memory_space<vmem>>, %arg2: memref<128x128xf32, #tpu.memory_space<vmem>>, %arg3: memref<1000x128xf32, #tpu.memory_space<vmem>>) attributes {dimension_semantics = [#tpu.dimension_semantics<arbitrary>], iteration_bounds = array<i64: 10>, scalar_prefetch = 0 : i64, scratch_operands = 0 : i64, tpu.core_type = #tpu.core_type<tc>, window_params = [{transform_indices = @transform_0, window_bounds = array<i64: 1000, 128>}, {pipeline_mode = #tpu.pipeline_mode<synchronous>, transform_indices = @transform_1, window_bounds = array<i64: 128, 128>}, {transform_indices = @transform_2, window_bounds = array<i64: 1000, 128>}]} {
    %get3A = arith.constant 0 : index
    %get3A_0 = arith.constant 0 : index
    %get3A_1 = vector.load %arg1[%get3A, %get3A_0] : memref<1000x128xf32, #tpu.memory_space<vmem>>, vector<1000x128xf32>
    %get3A_2 = arith.constant 0 : index
    %get3A_3 = arith.constant 0 : index
    %get3A_4 = vector.load %arg2[%get3A_2, %get3A_3] : memref<128x128xf32, #tpu.memory_space<vmem>>, vector<128x128xf32>
    %dot_general3A = arith.constant dense<0.000000e+00> : vector<1000x128xf32>
    %dot_general3A_5 = tpu.matmul %get3A_1, %get3A_4, %dot_general3A {dimension_numbers = #tpu.dot_dimension_numbers<[1], [0], [0], [1], [0, 0, 1, 1], [], []>, precision = #tpu.contract_precision<fp32>, transpose_lhs_hint = false} : vector<1000x128xf32>, vector<128x128xf32>, vector<1000x128xf32> -> vector<1000x128xf32>
    %swap3A = arith.constant 0 : index
    %swap3A_6 = arith.constant 0 : index
    %swap3A_7 = vector.load %arg3[%swap3A, %swap3A_6] : memref<1000x128xf32, #tpu.memory_space<vmem>>, vector<1000x128xf32>
    tpu.vector_store %arg3[%swap3A, %swap3A_6], %dot_general3A_5 {strides = array<i32>} : memref<1000x128xf32, #tpu.memory_space<vmem>>, vector<1000x128xf32>,
    return
  }
  func.func @transform_0(%arg0: i32) -> (i32, i32) {
    %c0_i32 = arith.constant 0 : i32
    %c0_i32_0 = arith.constant 0 : i32
    return %arg0, %c0_i32 : i32, i32
  }
  func.func @transform_1(%arg0: i32) -> (i32, i32) {
    %c0_i32 = arith.constant 0 : i32
    %c0_i32_0 = arith.constant 0 : i32
    %c0_i32_1 = arith.constant 0 : i32
    return %c0_i32, %c0_i32_0 : i32, i32
  }
  func.func @transform_2(%arg0: i32) -> (i32, i32) {
    %c0_i32 = arith.constant 0 : i32
    %c0_i32_0 = arith.constant 0 : i32
    return %arg0, %c0_i32 : i32, i32
  }
}

module attributes {stable_mosaic.version = 14 : i64} {
  func.func @body(%arg0: i32, %arg1: memref<8000x16xf32, #tpu.memory_space<vmem>>, %arg2: memref<16x128xf32, #tpu.memory_space<vmem>>, %arg3: memref<8000x128xf32, #tpu.memory_space<vmem>>) attributes {dimension_semantics = [#tpu.dimension_semantics<arbitrary>], iteration_bounds = array<i64: 40>, scalar_prefetch = 0 : i64, scratch_operands = 0 : i64, tpu.core_type = #tpu.core_type<tc>, window_params = [{transform_indices = @transform_0, window_bounds = array<i64: 8000, 16>}, {pipeline_mode = #tpu.pipeline_mode<synchronous>, transform_indices = @transform_1, window_bounds = array<i64: 16, 128>}, {transform_indices = @transform_2, window_bounds = array<i64: 8000, 128>}]} {
    %get3A = arith.constant 0 : index
    %get3A_0 = arith.constant 0 : index
    %get3A_1 = vector.load %arg1[%get3A, %get3A_0] : memref<8000x16xf32, #tpu.memory_space<vmem>>, vector<8000x16xf32>
    %get3A_2 = arith.constant 0 : index
    %get3A_3 = arith.constant 0 : index
    %get3A_4 = vector.load %arg2[%get3A_2, %get3A_3] : memref<16x128xf32, #tpu.memory_space<vmem>>, vector<16x128xf32>
    %convert_element_type3A = arith.truncf %get3A_1 : vector<8000x16xf32> to vector<8000x16xbf16>
    %convert_element_type3A_5 = arith.truncf %get3A_4 : vector<16x128xf32> to vector<16x128xbf16>
    %dot_general3A = arith.constant dense<0.000000e+00> : vector<8000x128xf32>
    %dot_general3A_6 = tpu.matmul %convert_element_type3A, %convert_element_type3A_5, %dot_general3A {dimension_numbers = #tpu.dot_dimension_numbers<[1], [0], [0], [1], [0, 0, 1, 1], [], []>, transpose_lhs_hint = false} : vector<8000x16xbf16>, vector<16x128xbf16>, vector<8000x128xf32> -> vector<8000x128xf32>
    %swap3A = arith.constant 0 : index
    %swap3A_7 = arith.constant 0 : index
    %swap3A_8 = vector.load %arg3[%swap3A, %swap3A_7] : memref<8000x128xf32, #tpu.memory_space<vmem>>, vector<8000x128xf32>
    tpu.vector_store %arg3[%swap3A, %swap3A_7], %dot_general3A_6 {strides = array<i32>} : memref<8000x128xf32, #tpu.memory_space<vmem>>, vector<8000x128xf32>,
    return
  }
  func.func @transform_0(%arg0: i32) -> (i32, i32) {
    %c0_i32 = arith.constant 0 : i32
    %c0_i32_0 = arith.constant 0 : i32
    return %arg0, %c0_i32 : i32, i32
  }
  func.func @transform_1(%arg0: i32) -> (i32, i32) {
    %c0_i32 = arith.constant 0 : i32
    %c0_i32_0 = arith.constant 0 : i32
    %c0_i32_1 = arith.constant 0 : i32
    return %c0_i32, %c0_i32_0 : i32, i32
  }
  func.func @transform_2(%arg0: i32) -> (i32, i32) {
    %c0_i32 = arith.constant 0 : i32
    %c0_i32_0 = arith.constant 0 : i32
    return %arg0, %c0_i32 : i32, i32
  }
}

module attributes {stable_mosaic.version = 14 : i64} {
  func.func @body(%arg0: i32, %arg1: memref<2x1000x128xf32, #tpu.memory_space<vmem>>, %arg2: memref<2x1000x128xf32, #tpu.memory_space<vmem>>, %arg3: memref<1x128xf32, #tpu.memory_space<vmem>>, %arg4: memref<1000x128xf32, #tpu.memory_space<vmem>>) attributes {dimension_semantics = [#tpu.dimension_semantics<arbitrary>], iteration_bounds = array<i64: 10>, scalar_prefetch = 0 : i64, scratch_operands = 0 : i64, tpu.core_type = #tpu.core_type<tc>, window_params = [{transform_indices = @transform_0, window_bounds = array<i64: 2, 1000, 128>}, {transform_indices = @transform_1, window_bounds = array<i64: 2, 1000, 128>}, {pipeline_mode = #tpu.pipeline_mode<synchronous>, transform_indices = @transform_2, window_bounds = array<i64: 1, 128>}, {transform_indices = @transform_3, window_bounds = array<i64: 1000, 128>}]} {
    %get3A = arith.constant 0 : index
    %get3A_0 = arith.constant 0 : index
    %get3A_1 = arith.constant 0 : index
    %get3A_2 = vector.load %arg1[%get3A, %get3A_0, %get3A_1] : memref<2x1000x128xf32, #tpu.memory_space<vmem>>, vector<1x1000x128xf32>
    %get3A_3 = vector.shape_cast %get3A_2 : vector<1x1000x128xf32> to vector<1000x128xf32>
    %get3A_4 = arith.constant 1 : index
    %get3A_5 = arith.constant 0 : index
    %get3A_6 = arith.constant 0 : index
    %get3A_7 = vector.load %arg1[%get3A_4, %get3A_5, %get3A_6] : memref<2x1000x128xf32, #tpu.memory_space<vmem>>, vector<1x1000x128xf32>
    %get3A_8 = vector.shape_cast %get3A_7 : vector<1x1000x128xf32> to vector<1000x128xf32>
    %add3A = arith.addf %get3A_3, %get3A_8 : vector<1000x128xf32>
    %get3A_9 = arith.constant 0 : index
    %get3A_10 = arith.constant 0 : index
    %get3A_11 = arith.constant 0 : index
    %get3A_12 = vector.load %arg2[%get3A_9, %get3A_10, %get3A_11] : memref<2x1000x128xf32, #tpu.memory_space<vmem>>, vector<1x1000x128xf32>
    %get3A_13 = vector.shape_cast %get3A_12 : vector<1x1000x128xf32> to vector<1000x128xf32>
    %get3A_14 = arith.constant 1 : index
    %get3A_15 = arith.constant 0 : index
    %get3A_16 = arith.constant 0 : index
    %get3A_17 = vector.load %arg2[%get3A_14, %get3A_15, %get3A_16] : memref<2x1000x128xf32, #tpu.memory_space<vmem>>, vector<1x1000x128xf32>
    %get3A_18 = vector.shape_cast %get3A_17 : vector<1x1000x128xf32> to vector<1000x128xf32>
    %add3A_19 = arith.addf %get3A_13, %get3A_18 : vector<1000x128xf32>
    %add3A_20 = arith.addf %add3A, %add3A_19 : vector<1000x128xf32>
    %get3A_21 = arith.constant 0 : index
    %get3A_22 = arith.constant 0 : index
    %get3A_23 = vector.load %arg3[%get3A_21, %get3A_22] : memref<1x128xf32, #tpu.memory_space<vmem>>, vector<1x128xf32>
    %add3A_24 = vector.broadcast %get3A_23 : vector<1x128xf32> to vector<1000x128xf32>
    %add3A_25 = arith.addf %add3A_20, %add3A_24 : vector<1000x128xf32>
    %swap3A = arith.constant 0 : index
    %swap3A_26 = arith.constant 0 : index
    %swap3A_27 = vector.load %arg4[%swap3A, %swap3A_26] : memref<1000x128xf32, #tpu.memory_space<vmem>>, vector<1000x128xf32>
    tpu.vector_store %arg4[%swap3A, %swap3A_26], %add3A_25 {strides = array<i32>} : memref<1000x128xf32, #tpu.memory_space<vmem>>, vector<1000x128xf32>,
    return
  }
  func.func @transform_0(%arg0: i32) -> (i32, i32, i32) {
    %c0_i32 = arith.constant 0 : i32
    %c0_i32_0 = arith.constant 0 : i32
    %c0_i32_1 = arith.constant 0 : i32
    return %c0_i32, %arg0, %c0_i32_0 : i32, i32, i32
  }
  func.func @transform_1(%arg0: i32) -> (i32, i32, i32) {
    %c0_i32 = arith.constant 0 : i32
    %c0_i32_0 = arith.constant 0 : i32
    %c0_i32_1 = arith.constant 0 : i32
    return %c0_i32, %arg0, %c0_i32_0 : i32, i32, i32
  }
  func.func @transform_2(%arg0: i32) -> (i32, i32) {
    %c0_i32 = arith.constant 0 : i32
    %c0_i32_0 = arith.constant 0 : i32
    %c0_i32_1 = arith.constant 0 : i32
    return %c0_i32, %c0_i32_0 : i32, i32
  }
  func.func @transform_3(%arg0: i32) -> (i32, i32) {
    %c0_i32 = arith.constant 0 : i32
    %c0_i32_0 = arith.constant 0 : i32
    return %arg0, %c0_i32 : i32, i32
  }
}

</mosaic_0001>

<sc_bundles>
// kernel: kernel.10.cloned.1.call-start
scs
__scs_entry_jumppad:
0x0: {  	(pc) =	sbr.rel $0x88, $3  }
0x1: {  	(tag) =	ssettag $0x0;
	lr =	simm.s32 $0x1  }
0x2: {  	[smem:$0x3F9C] =	sst lr;
	_ =	strace $0xD0000000  }
0x3: {  	_ = 	snop  }
0x4: {  	_ = 	snop  }
0x5: {  	_ = 	snop  }
0x6: {  	_ = 	snop  }
0x7: {  	_ = 	snop  }
__scs_overlays_trampoline_lowered:
0x8: {  	[smem:$0x3FAB] =	sst s0  }
0x9: {  	[smem:$0x3FAC] =	sst s1  }
0xa: {  	[smem:$0x3FAD] =	sst s2  }
0xb: {  	[smem:$0x3FAE] =	sst s3  }
0xc: {  	[smem:$0x3FAF] =	sst s4  }
0xd: {  	[smem:$0x3FB0] =	sst s5  }
0xe: {  	[smem:$0x3FB1] =	sst s6  }
0xf: {  	[smem:$0x3FB2] =	sst s7  }
0x10: {  	[smem:$0x3FB3] =	sst s8  }
0x11: {  	[smem:$0x3FB4] =	sst s9;
	s0 =	simm.s32 @!p0 $0x0  }
0x12: {  	s1 =	sld [smem:$0x3F9A];
	s0 =	simm.s32 @p0 $0x1  }
0x13: {  	[smem:$0x3FB5] =	sst s0;
	s0 =	simm.s32 @!p1 $0x0  }
0x14: {  	s2 =	sld [smem:$0x3F99];
	s0 =	simm.s32 @p1 $0x1  }
0x15: {  	[smem:$0x3FB6] =	sst s0;
	s0 =	simm.s32 @!p2 $0x0  }
0x16: {  	s3 =	sld [smem:$0x3FDB];
	s0 =	simm.s32 @p2 $0x1  }
0x17: {  	s4 =	simm.s32 $0x1BF5;
	[smem:$0x3FB8] =	sst s0  }
0x18: {  	s0 =	sld [smem:$0x3F9B];
	_ =	swait.ge [sflag:s4], $0x0  }
0x19: {  	s7 =	sld [smem:$0x3F9C]  }
0x1a: {  	s8 =	sadd.s32 $0xFFFFE003, lr  }
0x1b: {  	s9 =	sadd.s32 $0xFFFFFEF7, lr;
	s5 =	simm.s32 $0xFFFFFFFF;
	p2 =	slt.u32 s8, $0xFFFFF086  }
0x1c: {  	p1 =	slt.u32 s9, $0xF7A;
	s5 =	simm.s32 @!p2 $0x0  }
0x1d: {  	s5 =	simm.s32 @p1 $0x1;
	p0 =	seq.s32 s7, s2  }
0x1e: {  	s7 =	smul.u32 @!p0 $0xF7A, s2;
	p2 =	seq.s32 @!p0 s5, $0x0  }
0x1f: {  	s9 =	smul.u32 $0xF7A, s1;
	s8 =	simm.s32 @!p0 $0x1BF5;
	p2 =	por !p2, p0  }
0x20: {  	[sflag:s8] =	ssyncset.s32 @!p0 $0xFFFFF086;
	s6 =	sadd.s32 @!p0 s3, s7;
	s7 =	simm.s32 @!p0 $0x108  }
0x21: {  	s3 =	sadd.s32 s3, s9;
	s6 =	sadd.s32 @!p0 $0x88, s6;
	s7 =	simm.s32 @p2 $0x1082  }
0x22: {  	[simem:s7], [sflag:s8] =	dma.local @!p0 [hbm:s6], $0xF7A  }
0x23: {  	s9 =	sor.u32 $0xD0000000, s2;
	s6 =	simm.s32 $0x108;
	_ =	swait.ge @!p0 [sflag:s8], $0x0  }
0x24: {  	s3 =	sadd.s32 $0x88, s3;
	s6 =	simm.s32 @!p1 $0x1082;
	[sflag:s4] =	ssyncset.s32 $0xFFFFF086  }
0x25: {  	[simem:s6], [sflag:s4] =	dma.local [hbm:s3], $0xF7A  }
0x26: {  	[smem:$0x3F9C] =	sst s1;
	(tag) =	ssettag s2;
	_ =	strace s9  }
0x27: {  	s1 =	sld [smem:$0x3FAC]  }
0x28: {  	s2 =	sld [smem:$0x3FAD]  }
0x29: {  	s4 =	sld [smem:$0x3FAF]  }
0x2a: {  	p0 =	seq.s32 s5, $0x0;
	s5 =	sld [smem:$0x3FB0]  }
0x2b: {  	s6 =	sld [smem:$0x3FB1]  }
0x2c: {  	s7 =	sld [smem:$0x3FB2]  }
0x2d: {  	s3 =	simm.s32 $0x108;
	s8 =	sld [smem:$0x3FB3]  }
0x2e: {  	s3 =	simm.s32 @!p0 $0x1082;
	s9 =	sld [smem:$0x3FB4]  }
0x2f: {  	lr =	sadd.s32 s0, s3;
	s0 =	sld [smem:$0x3FAB]  }
0x30: {  	s3 =	sld [smem:$0x3FAE]  }
0x31: {  	[smem:$0x3FB7] =	sst s10  }
0x32: {  	s10 =	sld [smem:$0x3FB5];
	_ =	sdelay $0x3  }
0x33: {  	p0 =	seq.s32 s10, $0x1;
	s10 =	sld [smem:$0x3FB7];
	_ =	sdelay $0x3  }
0x34: {  	[smem:$0x3FB7] =	sst s10  }
0x35: {  	s10 =	sld [smem:$0x3FB6];
	_ =	sdelay $0x3  }
0x36: {  	p1 =	seq.s32 s10, $0x1;
	s10 =	sld [smem:$0x3FB7];
	_ =	sdelay $0x3  }
0x37: {  	[smem:$0x3FB7] =	sst s10  }
0x38: {  	s10 =	sld [smem:$0x3FB8]  }
0x39: {  	_ = 	snop;
	(pc) =	sbr.ind lr, $3  }
0x3a: {  	_ = 	snop  }
0x3b: {  	_ = 	snop  }
0x3c: {  	p2 =	seq.s32 s10, $0x1;
	s10 =	sld [smem:$0x3FB7]  }
0x3d: {  	_ =	shalt  }
0x3e: {  	_ =	shalt  }
0x3f: {  	_ =	shalt  }
0x40: {  	_ =	shalt  }
0x41: {  	_ =	shalt  }
0x42: {  	_ =	shalt  }
0x43: {  	_ =	shalt  }
0x44: {  	_ =	shalt  }
0x45: {  	_ =	shalt  }
0x46: {  	_ =	shalt  }
0x47: {  	_ =	shalt  }
0x48: {  	_ =	shalt  }
0x49: {  	_ =	shalt  }
0x4a: {  	_ =	shalt  }
0x4b: {  	_ =	shalt  }
0x4c: {  	_ =	shalt  }
0x4d: {  	_ =	shalt  }
0x4e: {  	_ =	shalt  }
0x4f: {  	_ =	shalt  }
0x50: {  	_ =	shalt  }
0x51: {  	_ =	shalt  }
0x52: {  	_ =	shalt  }
0x53: {  	_ =	shalt  }
0x54: {  	_ =	shalt  }
0x55: {  	_ =	shalt  }
0x56: {  	_ =	shalt  }
0x57: {  	_ =	shalt  }
0x58: {  	_ =	shalt  }
0x59: {  	_ =	shalt  }
0x5a: {  	_ =	shalt  }
0x5b: {  	_ =	shalt  }
0x5c: {  	_ =	shalt  }
0x5d: {  	_ =	shalt  }
0x5e: {  	_ =	shalt  }
0x5f: {  	_ =	shalt  }
0x60: {  	_ =	shalt  }
0x61: {  	_ =	shalt  }
0x62: {  	_ =	shalt  }
0x63: {  	_ =	shalt  }
0x64: {  	_ =	shalt  }
0x65: {  	_ =	shalt  }
0x66: {  	_ =	shalt  }
0x67: {  	_ =	shalt  }
0x68: {  	_ =	shalt  }
0x69: {  	_ =	shalt  }
0x6a: {  	_ =	shalt  }
0x6b: {  	_ =	shalt  }
0x6c: {  	_ =	shalt  }
0x6d: {  	_ =	shalt  }
0x6e: {  	_ =	shalt  }
0x6f: {  	_ =	shalt  }
0x70: {  	_ =	shalt  }
0x71: {  	_ =	shalt  }
0x72: {  	_ =	shalt  }
0x73: {  	_ =	shalt  }
0x74: {  	_ =	shalt  }
0x75: {  	_ =	shalt  }
0x76: {  	_ =	shalt  }
0x77: {  	_ =	shalt  }
0x78: {  	_ =	shalt  }
0x79: {  	_ =	shalt  }
0x7a: {  	_ =	shalt  }
0x7b: {  	_ =	shalt  }
0x7c: {  	_ =	shalt  }
0x7d: {  	_ =	shalt  }
0x7e: {  	_ =	shalt  }
0x7f: {  	_ =	shalt  }
0x80: {  	_ =	shalt  }
0x81: {  	_ =	shalt  }
0x82: {  	_ =	shalt  }
0x83: {  	_ =	shalt  }
0x84: {  	_ =	shalt  }
0x85: {  	_ =	shalt  }
0x86: {  	_ =	shalt  }
0x87: {  	_ =	shalt  }
.Lfunc_end0:
.L_simem_size_0:
called_computation.1_lowered:
.L_overlay_start_0:
0x88: {  	s2 =	sld [smem:$0x3FD9]  }
0x89: {  	s3 =	sld [smem:$0x3FFE];
	_ =	sdelay $0x1  }
0x8a: {  	s1 =	srdreg.scid  }
0x8b: {  	s0 =	sand.u32 $0x1, s1  }
0x8c: {  	s17 =	sshll.u32 s0, $0xA;
	s2 =	sadd.s32 s3, s2  }
0x8d: {  	s2 =	sadd.s32 s2, s17  }
0x8e: {  	[smem:$0x3FC3] =	sst s2  }
0x8f: {  	_ = 	snop  }
0x90: {  	(tm) =	ssettm $0x1  }
0x91: {  	s18 =	sld [smem:$0x3FFB];
	_ =	sdelay $0x3  }
0x92: {  	_ =	strace s18  }
0x93: {  	s2 =	sld [smem:$0x3FFC];
	_ =	sdelay $0x3  }
0x94: {  	_ =	strace s2  }
0x95: {  	s2 =	sld [smem:$0x3FFD];
	_ =	sdelay $0x3  }
0x96: {  	_ =	strace s2  }
0x97: {  	_ =	strace $0x8FFFFFFF  }
0x98: {  	s19 =	sld [smem:$0x3FDB];
	_ =	sdelay $0x1  }
0x99: {  	s20 =	simm.s32 $_scs_section_size  }
0x9a: {  	s4 =	simm.s32 $_size__tile_overlayer_lowered;
	s5 =	simm.s32 $_tile_overlayer_lowered  }
0x9b: {  	s6 =	simm.s32 $0x1BFF;
	s21 =	sshll.u32 s5, $0x1;
	s3 =	sadd.s32 s20, s19  }
0x9c: {  	s22 =	simm.s32 $0x0;
	s4 =	sshll.u32 s4, $0x1;
	s5 =	sadd.s32 s21, s3  }
0x9d: {  	[timem:s22], [sflag:s6] =	dma.local [hbm:s5], s4  }
0x9e: {  	_ =	swait.ge [sflag:s6], s4  }
0x9f: {  	s4 =	ssub.s32 $0x0, s4;
	[sflag:s6] =	ssyncset.done $0x0  }
0xa0: {  	[sflag:s6] =	ssyncadd.s32 s4;
	_ =	sdelay $0x1  }
0xa1: {  	s23 =	simm.s32 $0x1B8B  }
0xa2: {  	_ =	swait.ge [sflag:s23], $0x1  }
0xa3: {  	[sflag:s23] =	ssyncset.done $0x0  }
0xa4: {  	[sflag:s23] =	ssyncadd.s32 $0xFFFFFFFF  }
0xa5: {  	s4 =	sld [smem:$0x0]  }
0xa6: {  	s5 =	sand.u32 $0xFFFFFFFE, s1  }
0xa7: {  	p0 =	sne.s32 s1, s5  }
0xa8: {  	s5 =	sshll.u32 @p0 s5, $0xE  }
0xa9: {  	s5 =	sadd.s32 @p0 $0x11B8D, s5;
	s6 =	sshll.u32 @p0 s4, $0x11  }
0xaa: {  	s5 =	sor.u32 @p0 s6, s5  }
0xab: {  	[sflag:s5] =	ssyncadd.remote.s32 @p0 $0x1;
	_ =	sdelay $0x1  }
0xac: {  	s5 =	simm.s32 @p0 $0x1B8D  }
0xad: {  	_ =	swait.eq @p0 [sflag:s5], $0x1  }
0xae: {  	[sflag:s5] =	ssyncadd.s32 @p0 $0xFFFFFFFF  }
0xaf: {  	s6 =	sshll.u32 @!p0 s1, $0xE  }
0xb0: {  	s6 =	sor.u32 @!p0 $0x4000, s6;
	s5 =	simm.s32 @!p0 $0x1B8D  }
0xb1: {  	s4 =	sshll.u32 @!p0 s4, $0x11;
	s6 =	sadd.s32 @!p0 $0x11B8D, s6;
	_ =	swait.eq @!p0 [sflag:s5], $0x1  }
0xb2: {  	s4 =	sor.u32 @!p0 s4, s6;
	[sflag:s5] =	ssyncadd.s32 @!p0 $0xFFFFFFFF  }
0xb3: {  	s25 =	simm.s32 $0x1B8E;
	s24 =	sld [smem:$0x3FFE];
	[sflag:s4] =	ssyncadd.remote.s32 @!p0 $0x1  }
0xb4: {  	s26 =	simm.s32 $execute0_lowered;
	[smem:$0x3FD2] =	sst s25  }
0xb5: {  	s5 =	sshll.u32 s26, $0x1;
	_ =	strace $0x80000049;
	[dreg:$0x1] =	wrdreg $0xFFFFFFFF  }
0xb6: {  	s28 =	simm.s32 $_size_execute0_lowered;
	s3 =	sadd.s32 s3, s5;
	[dreg:$0x0] =	wrdreg $0x0  }
0xb7: {  	s5 =	sshll.u32 s28, $0x1;
	[dreg:$0x2] =	wrdreg s3  }
0xb8: {  	[dreg:$0x3] =	wrdreg s5  }
0xb9: {  	[dreg:$0x4] =	wrdreg $0xC0  }
0xba: {  	_ =	task [dreg:s22], $0x5FFFF  }
0xbb: {  	[dreg:$0x1] =	wrdreg $0xFFFFFFFF  }
0xbc: {  	[dreg:$0x0] =	wrdreg $0x60  }
0xbd: {  	[dreg:$0x2] =	wrdreg s24  }
0xbe: {  	[dreg:$0x3] =	wrdreg $0x0  }
0xbf: {  	[dreg:$0x4] =	wrdreg $0xA  }
0xc0: {  	_ =	task.clear_ibuf [dreg:s22], $0x5FFFF;
	_ =	strace $0x90000049  }
0xc1: {  	s29 =	simm.s32 $0xA;
	_ =	strace $0x8000004B  }
0xc2: {  	_ =	swait.ge [sflag:s29], $0x1  }
0xc3: {  	[sflag:s29] =	ssyncadd.s32 $0xFFFFFFFF  }
0xc4: {  	_ =	strace $0x9000004B  }
0xc5: {  	_ =	sfence  }
0xc6: {  	s30 =	sld [smem:$0x0];
	_ =	sdelay $0x2  }
0xc7: {  	s31 =	sshll.u32 s1, $0xD;
	s1 =	sshrl.u32 s1, $0x2  }
0xc8: {  	s4 =	sand.u32 $0x4000, s31;
	s1 =	sadd.s32 s1, s30  }
0xc9: {  	s0 =	sor.u32 s4, s0;
	s1 =	sshll.u32 s1, $0x11  }
0xca: {  	s0 =	sor.u32 s1, s0  }
0xcb: {  	s0 =	sadd.s32 $0x8F2B, s0  }
0xcc: {  	[sflag:s0] =	ssyncadd.remote.s32 $0x1  }
0xcd: {  	_ =	sfence.sel $0xFFFF  }
0xce: {  	[dreg:$0x0] =	wrdreg $0xFFFFFFFF;
	(pc) =	sbr.abs _section_cstart, $3  }
0xcf: {  	[dreg:$0x1] =	wrdreg $0xFFFFFFFF  }
0xd0: {  	_ =	task.clear_ibuf [dreg:s22], $0x2FFFF;
	_ =	strace $0x9FFFFFFF  }
0xd1: {  	(tm) =	ssettm $0x7FFFFFFF  }
tec
execute0_lowered:
.L_overlay_start_1:
0x0: {  	(tag) =	ssettag $0x1  }
0x1: {  	s0 =	rddreg [dreg:$0x0]  }
0x2: {  	s1 =	rddreg [dreg:$0x1];
	s3 =	simm.s32 $0x0;
	s2 =	srdreg.scid  }
0x3: {  	s18 =	stileid.u32;
	s28 =	simm.s32 $0x2;
	s29 =	simm.s32 $0x4  }
0x4: {  	s30 =	simm.s32 $0x0;
	[smem:$0x7FF] =	sst s3;
	s6 =	smul.u32 $0x14000, s18  }
0x5: {  	s2 =	sand.u32 $0x1, s2;
	s14 =	sadd.s32 $0x54A200, s0;
	s12 =	smul.u32 $0x50000, s18  }
0x6: {  	s4 =	sadd.s32 $0xBC00, s0;
	s7 =	sadd.s32 $0x15A00, s0;
	s5 =	smul.u32 $0x140000, s2  }
0x7: {  	s25 =	smul.u32 $0x27100, s18;
	_ =	strace $0x8000004A;
	s11 =	sshll.u32 s2, $0x4  }
0x8: {  	[dreg:$0x3] =	wrdreg s7;
	s5 =	sadd.s32 s6, s5;
	s6 =	sor.u32 s18, s11  }
0x9: {  	s8 =	ssub.s32 $0x2, s2;
	s7 =	sshrl.u32 s12, $0x2;
	s12 =	smul.u32 $0x2710, s6  }
0xa: {  	s16 =	sshll.u32 s18, $0x6;
	s9 =	sshrl.u32 s8, $0x1;
	s19 =	smul.u32 $0x27100, s6  }
0xb: {  	s13 =	ssub.s32 s8, s9;
	s6 =	sor.u32 $0x1C05, s16;
	s16 =	smul.u32 $0x27100, s2  }
0xc: {  	s15 =	sadd.s32 s7, s1;
	s5 =	sshrl.u32 s5, $0x3;
	s2 =	smul.u32 $0x271000, s2  }
0xd: {  	s0 =	sadd.s32 s5, s0;
	s17 =	sshrl.u32 s12, $0x3;
	s10 =	sadd.s32 $0x50, s12  }
0xe: {  	s21 =	sadd.s32 s14, s19;
	s11 =	sadd.s32 $0x68200, s0;
	s23 =	sadd.s32 $0x26C0, s12  }
0xf: {  	s12 =	smax.u32 s13, $0x1;
	s2 =	sadd.s32 s2, s14;
	s19 =	simm.s32 $0x5  }
0x10: {  	s20 =	sadd.s32 s4, s17;
	[dreg:$0x5] =	wrdreg s21;
	s22 =	sshrl.u32 s10, $0x3  }
0x11: {  	s10 =	sshll.u32 s10, $0x4;
	s17 =	smul.u32 $0x2710, s18;
	s24 =	sshrl.u32 s23, $0x3  }
0x12: {  	s0 =	sshll.u32 s23, $0x4;
	s26 =	sadd.s32 s25, s2;
	s18 =	sshrl.u32 s15, $0x3  }
0x13: {  	s21 =	simm.s32 $0x14100;
	s23 =	simm.s32 $0x16900;
	s25 =	simm.s32 $0x50  }
0x14: {  	[dreg:$0x4] =	wrdreg s20;
	s9 =	sadd.s32 s4, s22;
	s10 =	sadd.s32 s14, s10  }
0x15: {  	s13 =	sadd.s32 s4, s24;
	s14 =	sadd.s32 s14, s0;
	s17 =	sadd.s32 s17, s16  }
0x16: {  	s5 =	sadd.s32 $0xF00, s26;
	s20 =	simm.s32 $0x14000;
	s16 =	sadd.s32 $0xF0, s17  }
0x17: {  	s22 =	simm.s32 $0x14080;
	s24 =	simm.s32 $0x1;
	s31 =	sshrl.u32 s16, $0x3  }
0x18: {  	s26 =	simm.s32 $0x3;
	s17 =	sadd.s32 $0xA0, s17;
	s16 =	sadd.s32 s31, s4  }
.LBB2_1:
0x19: {  	s0 =	rddreg [dreg:$0x3]  }
0x1a: {  	[spmem:s18], [sflag:s6] =	dma.local [hbm:s0], $0x2800  }
0x1b: {  	_ =	swait.ge [sflag:s19], $0x2800  }
0x1c: {  	[sflag:s19] =	ssyncset.done $0x0  }
0x1d: {  	[sflag:s19] =	ssyncadd.s32 $0xFFFFD800  }
0x1e: {  	[bflag:$0x0] =	sbarrier.arrive $0xFFFF  }
0x1f: {  	s15 =	rddreg [dreg:$0x4]  }
0x20: {  	[tilespmem:s20], [sflag:$0x5] =	stream.linear.gather [hbm4b:s15+s3], $0x50, $0x38;
	[tilespmem:$0x19100] =	vst v63  }
0x21: {  	_ =	swait.ge [sflag:s19], $0x50  }
0x22: {  	[sflag:s19] =	ssyncset.done $0x0  }
0x23: {  	s2 =	rddreg [dreg:$0x5];
	[sflag:s19] =	ssyncadd.s32 $0xFFFFFFB0  }
0x24: {  	[tilespmem:s21], [sflag:$0x1] =	stream.linear.gather [hbm4b:s2+s3], $0x2800, $0x38;
	[tilespmem:$0x19100] =	vst v63  }
0x25: {  	_ = 	snop  }
0x26: {  	[tilespmem:s22], [sflag:$0x5] =	stream.linear.gather [hbm4b:s9+s3], $0x50, $0x38;
	[tilespmem:$0x19100] =	vst v63  }
0x27: {  	_ =	swait.ge [sflag:s19], $0x50  }
0x28: {  	[sflag:s19] =	ssyncset.done $0x0  }
0x29: {  	[sflag:s19] =	ssyncadd.s32 $0xFFFFFFB0  }
0x2a: {  	[tilespmem:s23], [sflag:$0x2] =	stream.linear.gather [hbm4b:s10+s3], $0x2800, $0x38;
	[tilespmem:$0x19100] =	vst v63  }
0x2b: {  	_ =	swait.ge [sflag:s24], $0x2800  }
0x2c: {  	[sflag:s24] =	ssyncset.done $0x0  }
0x2d: {  	[sflag:s24] =	ssyncadd.s32 $0xFFFFD800  }
0x2e: {  	[spmem:s1] =	stream.indirect.scatter.add.f32 [tilespmem:s21], [sflag:$0x3], $0x80, s20, s25, $0xb8;
	[tilespmem:$0x19100] =	vst v63  }
0x2f: {  	_ =	swait.ge [sflag:s26], $0x2800  }
0x30: {  	s7 =	sshrl.u32 s17, $0x3;
	[sflag:s26] =	ssyncset.done $0x0  }
0x31: {  	s0 =	sadd.s32 s4, s7;
	[sflag:s26] =	ssyncadd.s32 $0xFFFFD800  }
0x32: {  	[tilespmem:s20], [sflag:$0x5] =	stream.linear.gather [hbm4b:s0+s3], $0x50, $0x38;
	[tilespmem:$0x19100] =	vst v63  }
0x33: {  	_ =	swait.ge [sflag:s19], $0x50  }
0x34: {  	[sflag:s19] =	ssyncset.done $0x0  }
0x35: {  	s8 =	sadd.s32 $0xFFFFFB00, s5;
	[sflag:s19] =	ssyncadd.s32 $0xFFFFFFB0  }
0x36: {  	[tilespmem:s21], [sflag:$0x1] =	stream.linear.gather [hbm4b:s8+s3], $0x2800, $0x38;
	[tilespmem:$0x19100] =	vst v63  }
0x37: {  	_ =	swait.ge [sflag:s28], $0x2800  }
0x38: {  	[sflag:s28] =	ssyncset.done $0x0  }
0x39: {  	[sflag:s28] =	ssyncadd.s32 $0xFFFFD800  }
0x3a: {  	[spmem:s1] =	stream.indirect.scatter.add.f32 [tilespmem:s23], [sflag:$0x4], $0x80, s22, s25, $0xb8;
	[tilespmem:$0x19100] =	vst v63  }
0x3b: {  	_ =	swait.ge [sflag:s29], $0x2800  }
0x3c: {  	[sflag:s29] =	ssyncset.done $0x0  }
0x3d: {  	s15 =	sadd.s32 $0x0, s16;
	[sflag:s29] =	ssyncadd.s32 $0xFFFFD800  }
0x3e: {  	[tilespmem:s22], [sflag:$0x5] =	stream.linear.gather [hbm4b:s15+s3], $0x50, $0x38;
	[tilespmem:$0x19100] =	vst v63  }
0x3f: {  	_ =	swait.ge [sflag:s19], $0x50  }
0x40: {  	s31 =	simm.s32 $0x14;
	s2 =	sadd.s32 $0xA0, s17;
	[sflag:s19] =	ssyncset.done $0x0  }
0x41: {  	s0 =	sadd.s32 $0xA00, s5;
	s15 =	smov.u32 s5;
	[sflag:s19] =	ssyncadd.s32 $0xFFFFFFB0  }
.LBB2_2:
0x42: {  	[tilespmem:s23], [sflag:$0x2] =	stream.linear.gather [hbm4b:s15+s3], $0x2800, $0x38;
	[tilespmem:$0x19100] =	vst v63  }
0x43: {  	s7 =	smov.u32 s31;
	s15 =	smov.u32 s0  }
0x44: {  	p0 =	sne.s32 s31, $0x4B0;
	s31 =	sadd.s32 $0x14, s31;
	_ =	swait.ge [sflag:s24], $0x2800  }
0x45: {  	[sflag:s24] =	ssyncset.done $0x0  }
0x46: {  	[sflag:s24] =	ssyncadd.s32 $0xFFFFD800  }
0x47: {  	[spmem:s1] =	stream.indirect.scatter.add.f32 [tilespmem:s21], [sflag:$0x3], $0x80, s20, s25, $0xb8;
	[tilespmem:$0x19100] =	vst v63  }
0x48: {  	_ =	swait.ge [sflag:s26], $0x2800  }
0x49: {  	s8 =	sshrl.u32 s2, $0x3;
	[sflag:s26] =	ssyncset.done $0x0  }
0x4a: {  	s8 =	sadd.s32 s4, s8;
	[sflag:s26] =	ssyncadd.s32 $0xFFFFD800  }
0x4b: {  	[tilespmem:s20], [sflag:$0x5] =	stream.linear.gather [hbm4b:s8+s3], $0x50, $0x38;
	[tilespmem:$0x19100] =	vst v63  }
0x4c: {  	_ =	swait.ge [sflag:s19], $0x50  }
0x4d: {  	[sflag:s19] =	ssyncset.done $0x0  }
0x4e: {  	s8 =	sadd.s32 $0xFFFFFB00, s0;
	[sflag:s19] =	ssyncadd.s32 $0xFFFFFFB0  }
0x4f: {  	[tilespmem:s21], [sflag:$0x1] =	stream.linear.gather [hbm4b:s8+s3], $0x2800, $0x38;
	[tilespmem:$0x19100] =	vst v63  }
0x50: {  	_ =	swait.ge [sflag:s28], $0x2800  }
0x51: {  	[sflag:s28] =	ssyncset.done $0x0  }
0x52: {  	[sflag:s28] =	ssyncadd.s32 $0xFFFFD800  }
0x53: {  	[spmem:s1] =	stream.indirect.scatter.add.f32 [tilespmem:s23], [sflag:$0x4], $0x80, s22, s25, $0xb8;
	[tilespmem:$0x19100] =	vst v63  }
0x54: {  	_ =	swait.ge [sflag:s29], $0x2800  }
0x55: {  	[sflag:s29] =	ssyncset.done $0x0  }
.Ltmp0:
0x56: {  	s7 =	sadd.s32 s7, s16;
	[sflag:s29] =	ssyncadd.s32 $0xFFFFD800;
	(pc) =	sbr.rel @p0 .LBB2_2-.Ltmp0, $4  }
0x57: {  	[tilespmem:s22], [sflag:$0x5] =	stream.linear.gather [hbm4b:s7+s3], $0x50, $0x38;
	[tilespmem:$0x19100] =	vst v63  }
0x58: {  	_ =	swait.ge [sflag:s19], $0x50  }
0x59: {  	[sflag:s19] =	ssyncset.done $0x0  }
0x5a: {  	s2 =	sadd.s32 $0xA0, s2;
	s0 =	sadd.s32 $0xA00, s0;
	[sflag:s19] =	ssyncadd.s32 $0xFFFFFFB0  }
0x5b: {  	[tilespmem:s23], [sflag:$0x2] =	stream.linear.gather [hbm4b:s15+s3], $0x2800, $0x38;
	[tilespmem:$0x19100] =	vst v63  }
0x5c: {  	_ =	swait.ge [sflag:s24], $0x2800  }
0x5d: {  	[sflag:s24] =	ssyncset.done $0x0  }
0x5e: {  	[sflag:s24] =	ssyncadd.s32 $0xFFFFD800  }
0x5f: {  	[spmem:s1] =	stream.indirect.scatter.add.f32 [tilespmem:s21], [sflag:$0x3], $0x80, s20, s25, $0xb8;
	[tilespmem:$0x19100] =	vst v63  }
0x60: {  	_ =	swait.ge [sflag:s26], $0x2800  }
0x61: {  	[sflag:s26] =	ssyncset.done $0x0  }
0x62: {  	[sflag:s26] =	ssyncadd.s32 $0xFFFFD800  }
0x63: {  	[tilespmem:s20], [sflag:$0x5] =	stream.linear.gather [hbm4b:s13+s3], $0x50, $0x38;
	[tilespmem:$0x19100] =	vst v63  }
0x64: {  	_ =	swait.ge [sflag:s19], $0x50  }
0x65: {  	[sflag:s19] =	ssyncset.done $0x0  }
0x66: {  	[sflag:s19] =	ssyncadd.s32 $0xFFFFFFB0  }
0x67: {  	[tilespmem:s21], [sflag:$0x1] =	stream.linear.gather [hbm4b:s14+s3], $0x2800, $0x38;
	[tilespmem:$0x19100] =	vst v63  }
0x68: {  	_ =	swait.ge [sflag:s28], $0x2800  }
0x69: {  	[sflag:s28] =	ssyncset.done $0x0  }
0x6a: {  	[sflag:s28] =	ssyncadd.s32 $0xFFFFD800  }
0x6b: {  	[spmem:s1] =	stream.indirect.scatter.add.f32 [tilespmem:s23], [sflag:$0x4], $0x80, s22, s25, $0xb8;
	[tilespmem:$0x19100] =	vst v63  }
0x6c: {  	_ =	swait.ge [sflag:s29], $0x2800  }
0x6d: {  	[sflag:s29] =	ssyncset.done $0x0  }
0x6e: {  	[sflag:s29] =	ssyncadd.s32 $0xFFFFD800  }
0x6f: {  	_ =	swait.ge [sflag:s24], $0x2800  }
0x70: {  	[sflag:s24] =	ssyncset.done $0x0  }
0x71: {  	[sflag:s24] =	ssyncadd.s32 $0xFFFFD800  }
0x72: {  	[spmem:s1] =	stream.indirect.scatter.add.f32 [tilespmem:s21], [sflag:$0x3], $0x80, s20, s25, $0xb8;
	[tilespmem:$0x19100] =	vst v63  }
0x73: {  	_ =	swait.ge [sflag:s26], $0x2800  }
0x74: {  	s30 =	sadd.s32 $0x1, s30;
	[sflag:s26] =	ssyncset.done $0x0  }
0x75: {  	p0 =	sne.s32 s30, s12;
	[sflag:s26] =	ssyncadd.s32 $0xFFFFD800  }
.Ltmp1:
0x76: {  	[bflag:$0x0] =	sbarrier.arrive $0xFFFF;
	(pc) =	sbr.rel @p0 .LBB2_1-.Ltmp1, $4  }
0x77: {  	[hbm:s11], [sflag:s6] =	dma.local [spmem:s18], $0x2800  }
0x78: {  	_ =	swait.ge [sflag:s19], $0x2800  }
0x79: {  	[sflag:s19] =	ssyncset.done $0x0  }
0x7a: {  	[sflag:s19] =	ssyncadd.s32 $0xFFFFD800  }
0x7b: {  	_ =	sfence.sel $0x180000  }
0x7c: {  	[bflag:$0x0] =	sbarrier.arrive $0xFFFF  }
0x7d: {  	_ =	strace $0x9000004A  }
0x7e: {  	s0 =	stileid.u32;
	[bflag:$0x2] =	sbarrier.arrive $0xFFFF  }
0x7f: {  	p0 =	sne.s32 s0, $0x0;
	s0 =	rddreg [dreg:$0x2]  }
0x80: {  	s0 =	sadd.s32 @!p0 $0x100000, s0  }
0x81: {  	[sflag:s0] =	ssyncadd.tile.s32 @!p0 $0x1;
	_ =	shalt  }
.Lfunc_end2:
_tile_overlayer_lowered:
.L_overlay_start_2:
0x82: {  	(tag) =	ssettag $0x2  }
0x83: {  	s0 =	rddreg [dreg:$0x0];
	s2 =	stileid.u32  }
0x84: {  	s1 =	rddreg [dreg:$0x1];
	p0 =	sne.s32 s2, $0x0  }
0x85: {  	s3 =	rddreg [dreg:$0x2];
	[bflag:$0x3] =	sbarrier.arrive $0xFFFF;
	s2 =	simm.s32 @!p0 $0x1C05  }
0x86: {  	[timem:s3], [sflag:s2] =	dma.local @!p0 [hbm:s0], s1  }
0x87: {  	s0 =	simm.s32 @!p0 $0x5  }
0x88: {  	_ =	swait.ge @!p0 [sflag:s0], s1  }
0x89: {  	s1 =	ssub.s32 @!p0 $0x0, s1;
	[sflag:s0] =	ssyncset.done @!p0 $0x0  }
0x8a: {  	[sflag:s0] =	ssyncadd.s32 @!p0 s1  }
0x8b: {  	[bflag:$0x3] =	sbarrier.arrive $0xFFFF  }
0x8c: {  	_ =	shalt  }

// kernel: kernel.7.cloned.1.call-start
scs
__scs_entry_jumppad:
0x0: {  	(pc) =	sbr.rel $0x88, $3  }
0x1: {  	(tag) =	ssettag $0x0;
	lr =	simm.s32 $0x1  }
0x2: {  	[smem:$0x3F9C] =	sst lr;
	_ =	strace $0xD0000000  }
0x3: {  	_ = 	snop  }
0x4: {  	_ = 	snop  }
0x5: {  	_ = 	snop  }
0x6: {  	_ = 	snop  }
0x7: {  	_ = 	snop  }
__scs_overlays_trampoline_lowered:
0x8: {  	[smem:$0x3FAB] =	sst s0  }
0x9: {  	[smem:$0x3FAC] =	sst s1  }
0xa: {  	[smem:$0x3FAD] =	sst s2  }
0xb: {  	[smem:$0x3FAE] =	sst s3  }
0xc: {  	[smem:$0x3FAF] =	sst s4  }
0xd: {  	[smem:$0x3FB0] =	sst s5  }
0xe: {  	[smem:$0x3FB1] =	sst s6  }
0xf: {  	[smem:$0x3FB2] =	sst s7  }
0x10: {  	[smem:$0x3FB3] =	sst s8  }
0x11: {  	[smem:$0x3FB4] =	sst s9;
	s0 =	simm.s32 @!p0 $0x0  }
0x12: {  	s1 =	sld [smem:$0x3F9A];
	s0 =	simm.s32 @p0 $0x1  }
0x13: {  	[smem:$0x3FB5] =	sst s0;
	s0 =	simm.s32 @!p1 $0x0  }
0x14: {  	s2 =	sld [smem:$0x3F99];
	s0 =	simm.s32 @p1 $0x1  }
0x15: {  	[smem:$0x3FB6] =	sst s0;
	s0 =	simm.s32 @!p2 $0x0  }
0x16: {  	s3 =	sld [smem:$0x3FDB];
	s0 =	simm.s32 @p2 $0x1  }
0x17: {  	s4 =	simm.s32 $0x1BF5;
	[smem:$0x3FB8] =	sst s0  }
0x18: {  	s0 =	sld [smem:$0x3F9B];
	_ =	swait.ge [sflag:s4], $0x0  }
0x19: {  	s7 =	sld [smem:$0x3F9C]  }
0x1a: {  	s8 =	sadd.s32 $0xFFFFE003, lr  }
0x1b: {  	s9 =	sadd.s32 $0xFFFFFEF7, lr;
	s5 =	simm.s32 $0xFFFFFFFF;
	p2 =	slt.u32 s8, $0xFFFFF086  }
0x1c: {  	p1 =	slt.u32 s9, $0xF7A;
	s5 =	simm.s32 @!p2 $0x0  }
0x1d: {  	s5 =	simm.s32 @p1 $0x1;
	p0 =	seq.s32 s7, s2  }
0x1e: {  	s7 =	smul.u32 @!p0 $0xF7A, s2;
	p2 =	seq.s32 @!p0 s5, $0x0  }
0x1f: {  	s9 =	smul.u32 $0xF7A, s1;
	s8 =	simm.s32 @!p0 $0x1BF5;
	p2 =	por !p2, p0  }
0x20: {  	[sflag:s8] =	ssyncset.s32 @!p0 $0xFFFFF086;
	s6 =	sadd.s32 @!p0 s3, s7;
	s7 =	simm.s32 @!p0 $0x108  }
0x21: {  	s3 =	sadd.s32 s3, s9;
	s6 =	sadd.s32 @!p0 $0x88, s6;
	s7 =	simm.s32 @p2 $0x1082  }
0x22: {  	[simem:s7], [sflag:s8] =	dma.local @!p0 [hbm:s6], $0xF7A  }
0x23: {  	s9 =	sor.u32 $0xD0000000, s2;
	s6 =	simm.s32 $0x108;
	_ =	swait.ge @!p0 [sflag:s8], $0x0  }
0x24: {  	s3 =	sadd.s32 $0x88, s3;
	s6 =	simm.s32 @!p1 $0x1082;
	[sflag:s4] =	ssyncset.s32 $0xFFFFF086  }
0x25: {  	[simem:s6], [sflag:s4] =	dma.local [hbm:s3], $0xF7A  }
0x26: {  	[smem:$0x3F9C] =	sst s1;
	(tag) =	ssettag s2;
	_ =	strace s9  }
0x27: {  	s1 =	sld [smem:$0x3FAC]  }
0x28: {  	s2 =	sld [smem:$0x3FAD]  }
0x29: {  	s4 =	sld [smem:$0x3FAF]  }
0x2a: {  	p0 =	seq.s32 s5, $0x0;
	s5 =	sld [smem:$0x3FB0]  }
0x2b: {  	s6 =	sld [smem:$0x3FB1]  }
0x2c: {  	s7 =	sld [smem:$0x3FB2]  }
0x2d: {  	s3 =	simm.s32 $0x108;
	s8 =	sld [smem:$0x3FB3]  }
0x2e: {  	s3 =	simm.s32 @!p0 $0x1082;
	s9 =	sld [smem:$0x3FB4]  }
0x2f: {  	lr =	sadd.s32 s0, s3;
	s0 =	sld [smem:$0x3FAB]  }
0x30: {  	s3 =	sld [smem:$0x3FAE]  }
0x31: {  	[smem:$0x3FB7] =	sst s10  }
0x32: {  	s10 =	sld [smem:$0x3FB5];
	_ =	sdelay $0x3  }
0x33: {  	p0 =	seq.s32 s10, $0x1;
	s10 =	sld [smem:$0x3FB7];
	_ =	sdelay $0x3  }
0x34: {  	[smem:$0x3FB7] =	sst s10  }
0x35: {  	s10 =	sld [smem:$0x3FB6];
	_ =	sdelay $0x3  }
0x36: {  	p1 =	seq.s32 s10, $0x1;
	s10 =	sld [smem:$0x3FB7];
	_ =	sdelay $0x3  }
0x37: {  	[smem:$0x3FB7] =	sst s10  }
0x38: {  	s10 =	sld [smem:$0x3FB8]  }
0x39: {  	_ = 	snop;
	(pc) =	sbr.ind lr, $3  }
0x3a: {  	_ = 	snop  }
0x3b: {  	_ = 	snop  }
0x3c: {  	p2 =	seq.s32 s10, $0x1;
	s10 =	sld [smem:$0x3FB7]  }
0x3d: {  	_ =	shalt  }
0x3e: {  	_ =	shalt  }
0x3f: {  	_ =	shalt  }
0x40: {  	_ =	shalt  }
0x41: {  	_ =	shalt  }
0x42: {  	_ =	shalt  }
0x43: {  	_ =	shalt  }
0x44: {  	_ =	shalt  }
0x45: {  	_ =	shalt  }
0x46: {  	_ =	shalt  }
0x47: {  	_ =	shalt  }
0x48: {  	_ =	shalt  }
0x49: {  	_ =	shalt  }
0x4a: {  	_ =	shalt  }
0x4b: {  	_ =	shalt  }
0x4c: {  	_ =	shalt  }
0x4d: {  	_ =	shalt  }
0x4e: {  	_ =	shalt  }
0x4f: {  	_ =	shalt  }
0x50: {  	_ =	shalt  }
0x51: {  	_ =	shalt  }
0x52: {  	_ =	shalt  }
0x53: {  	_ =	shalt  }
0x54: {  	_ =	shalt  }
0x55: {  	_ =	shalt  }
0x56: {  	_ =	shalt  }
0x57: {  	_ =	shalt  }
0x58: {  	_ =	shalt  }
0x59: {  	_ =	shalt  }
0x5a: {  	_ =	shalt  }
0x5b: {  	_ =	shalt  }
0x5c: {  	_ =	shalt  }
0x5d: {  	_ =	shalt  }
0x5e: {  	_ =	shalt  }
0x5f: {  	_ =	shalt  }
0x60: {  	_ =	shalt  }
0x61: {  	_ =	shalt  }
0x62: {  	_ =	shalt  }
0x63: {  	_ =	shalt  }
0x64: {  	_ =	shalt  }
0x65: {  	_ =	shalt  }
0x66: {  	_ =	shalt  }
0x67: {  	_ =	shalt  }
0x68: {  	_ =	shalt  }
0x69: {  	_ =	shalt  }
0x6a: {  	_ =	shalt  }
0x6b: {  	_ =	shalt  }
0x6c: {  	_ =	shalt  }
0x6d: {  	_ =	shalt  }
0x6e: {  	_ =	shalt  }
0x6f: {  	_ =	shalt  }
0x70: {  	_ =	shalt  }
0x71: {  	_ =	shalt  }
0x72: {  	_ =	shalt  }
0x73: {  	_ =	shalt  }
0x74: {  	_ =	shalt  }
0x75: {  	_ =	shalt  }
0x76: {  	_ =	shalt  }
0x77: {  	_ =	shalt  }
0x78: {  	_ =	shalt  }
0x79: {  	_ =	shalt  }
0x7a: {  	_ =	shalt  }
0x7b: {  	_ =	shalt  }
0x7c: {  	_ =	shalt  }
0x7d: {  	_ =	shalt  }
0x7e: {  	_ =	shalt  }
0x7f: {  	_ =	shalt  }
0x80: {  	_ =	shalt  }
0x81: {  	_ =	shalt  }
0x82: {  	_ =	shalt  }
0x83: {  	_ =	shalt  }
0x84: {  	_ =	shalt  }
0x85: {  	_ =	shalt  }
0x86: {  	_ =	shalt  }
0x87: {  	_ =	shalt  }
.Lfunc_end0:
.L_simem_size_0:
called_computation_lowered:
.L_overlay_start_0:
0x88: {  	s2 =	sld [smem:$0x3FD9]  }
0x89: {  	s3 =	sld [smem:$0x3FFE];
	_ =	sdelay $0x1  }
0x8a: {  	s1 =	srdreg.scid  }
0x8b: {  	s0 =	sand.u32 $0x1, s1  }
0x8c: {  	s17 =	sshll.u32 s0, $0xA;
	s2 =	sadd.s32 s3, s2  }
0x8d: {  	s2 =	sadd.s32 s2, s17  }
0x8e: {  	[smem:$0x3FC3] =	sst s2  }
0x8f: {  	_ = 	snop  }
0x90: {  	s2 =	sld [smem:$0x3FD0];
	(tm) =	ssettm $0x1  }
0x91: {  	s18 =	sld [smem:$0x3FFB];
	_ =	sdelay $0x3  }
0x92: {  	_ =	strace s18  }
0x93: {  	s3 =	sld [smem:$0x3FFC];
	_ =	sdelay $0x3  }
0x94: {  	_ =	strace s3  }
0x95: {  	s3 =	sld [smem:$0x3FFD];
	_ =	sdelay $0x3  }
0x96: {  	_ =	strace s3  }
0x97: {  	_ =	strace $0x8FFFFFFF  }
0x98: {  	s19 =	sld [smem:$0x3FDB];
	_ =	sdelay $0x1  }
0x99: {  	s4 =	simm.s32 $_scs_section_size  }
0x9a: {  	s5 =	simm.s32 $_size__tile_overlayer_lowered;
	s6 =	simm.s32 $_tile_overlayer_lowered  }
0x9b: {  	s22 =	simm.s32 $0x1BFF;
	s21 =	sshll.u32 s6, $0x1;
	s3 =	sadd.s32 s4, s19  }
0x9c: {  	s7 =	simm.s32 $0x0;
	s20 =	sshll.u32 s5, $0x1;
	s5 =	sadd.s32 s21, s3  }
0x9d: {  	[timem:s7], [sflag:s22] =	dma.local [hbm:s5], s20  }
0x9e: {  	_ =	swait.ge [sflag:s22], s20  }
0x9f: {  	s4 =	ssub.s32 $0x0, s20;
	[sflag:s22] =	ssyncset.done $0x0  }
0xa0: {  	[sflag:s22] =	ssyncadd.s32 s4;
	_ =	sdelay $0x1  }
0xa1: {  	s23 =	simm.s32 $0x1B8B  }
0xa2: {  	_ =	swait.ge [sflag:s23], $0x1  }
0xa3: {  	[sflag:s23] =	ssyncset.done $0x0  }
0xa4: {  	s25 =	simm.s32 $0x1B8E;
	s24 =	sld [smem:$0x3FFE];
	[sflag:s23] =	ssyncadd.s32 $0xFFFFFFFF  }
0xa5: {  	s26 =	simm.s32 $execute0_lowered;
	[smem:$0x3FD2] =	sst s25  }
0xa6: {  	s5 =	sshll.u32 s26, $0x1;
	_ =	strace $0x80000046;
	[dreg:$0x1] =	wrdreg $0xFFFFFFFF  }
0xa7: {  	s28 =	simm.s32 $_size_execute0_lowered;
	s3 =	sadd.s32 s3, s5;
	[dreg:$0x0] =	wrdreg $0x0  }
0xa8: {  	s5 =	sshll.u32 s28, $0x1;
	[dreg:$0x2] =	wrdreg s3  }
0xa9: {  	[dreg:$0x3] =	wrdreg s5  }
0xaa: {  	[dreg:$0x4] =	wrdreg $0xC0  }
0xab: {  	_ =	task [dreg:s7], $0x5FFFF  }
0xac: {  	[dreg:$0x1] =	wrdreg $0xFFFFFFFF  }
0xad: {  	[dreg:$0x0] =	wrdreg $0x60  }
0xae: {  	[dreg:$0x2] =	wrdreg s2  }
0xaf: {  	[dreg:$0x3] =	wrdreg s24  }
0xb0: {  	[dreg:$0x4] =	wrdreg $0x0  }
0xb1: {  	[dreg:$0x5] =	wrdreg $0x9  }
0xb2: {  	_ =	task.clear_ibuf [dreg:s7], $0x6FFFF;
	_ =	strace $0x90000046  }
0xb3: {  	s29 =	simm.s32 $0x9;
	_ =	strace $0x80000048  }
0xb4: {  	_ =	swait.ge [sflag:s29], $0x1  }
0xb5: {  	[sflag:s29] =	ssyncadd.s32 $0xFFFFFFFF  }
0xb6: {  	_ =	strace $0x90000048  }
0xb7: {  	_ =	sfence  }
0xb8: {  	s30 =	sld [smem:$0x0];
	_ =	sdelay $0x2  }
0xb9: {  	s31 =	sshll.u32 s1, $0xD;
	s1 =	sshrl.u32 s1, $0x2  }
0xba: {  	s3 =	sand.u32 $0x4000, s31;
	s1 =	sadd.s32 s1, s30  }
0xbb: {  	s0 =	sor.u32 s3, s0;
	s1 =	sshll.u32 s1, $0x11  }
0xbc: {  	s0 =	sor.u32 s1, s0  }
0xbd: {  	s0 =	sadd.s32 $0x8F2B, s0  }
0xbe: {  	[sflag:s0] =	ssyncadd.remote.s32 $0x1  }
0xbf: {  	_ =	sfence.sel $0xFFFF  }
0xc0: {  	[dreg:$0x0] =	wrdreg $0xFFFFFFFF;
	(pc) =	sbr.abs _section_cstart, $3  }
0xc1: {  	[dreg:$0x1] =	wrdreg $0xFFFFFFFF  }
0xc2: {  	_ =	task.clear_ibuf [dreg:s7], $0x2FFFF;
	_ =	strace $0x9FFFFFFF  }
0xc3: {  	(tm) =	ssettm $0x7FFFFFFF  }
tec
execute0_lowered:
.L_overlay_start_1:
0x0: {  	(tag) =	ssettag $0x1  }
0x1: {  	s0 =	rddreg [dreg:$0x0]  }
0x2: {  	s1 =	rddreg [dreg:$0x1]  }
0x3: {  	s2 =	srdreg.scid;
	s3 =	rddreg [dreg:$0x2]  }
0x4: {  	s11 =	stileid.u32;
	s4 =	simm.s32 $0x0;
	s28 =	simm.s32 $0x14180  }
0x5: {  	s29 =	simm.s32 $0x16A00;
	s30 =	simm.s32 $0x1;
	s7 =	smul.u32 $0x14000, s11  }
0x6: {  	s31 =	simm.s32 $0x3;
	s2 =	sand.u32 $0x1, s2;
	s10 =	smul.u32 $0x50000, s11  }
0x7: {  	[smem:$0x7FF] =	sst s4;
	s5 =	sadd.s32 $0x1E00, s1;
	s13 =	smul.u32 $0x2710, s11  }
0x8: {  	s8 =	sadd.s32 $0x15A00, s1;
	s19 =	sshll.u32 s11, $0x6;
	s6 =	smul.u32 $0x140000, s2  }
0x9: {  	_ =	strace $0x80000047;
	[dreg:$0x4] =	wrdreg s8;
	s16 =	ssub.s32 $0x2, s2  }
0xa: {  	s9 =	sshll.u32 s2, $0x4;
	s2 =	smul.u32 $0x27100, s2;
	s8 =	sor.u32 $0x1C05, s19  }
0xb: {  	s17 =	sshrl.u32 s16, $0x1;
	s9 =	sor.u32 s11, s9;
	s18 =	sshrl.u32 s10, $0x2  }
0xc: {  	s7 =	sadd.s32 s7, s6;
	s6 =	sadd.s32 $0xBC00, s1;
	s9 =	smul.u32 $0x2710, s9  }
0xd: {  	s10 =	sadd.s32 s18, s3;
	s2 =	sadd.s32 s13, s2;
	s7 =	sshrl.u32 s7, $0x3  }
0xe: {  	s25 =	sadd.s32 $0xF0, s2;
	s19 =	sadd.s32 $0xA0, s2;
	s2 =	simm.s32 $0x4  }
0xf: {  	s1 =	sadd.s32 s7, s1;
	s7 =	ssub.s32 s16, s17;
	s9 =	sshrl.u32 s9, $0x3  }
0x10: {  	s26 =	sshrl.u32 s25, $0x3;
	s25 =	simm.s32 $0x14200;
	s20 =	sadd.s32 s5, s9  }
0x11: {  	s21 =	sadd.s32 s6, s9;
	s12 =	sadd.s32 $0xA, s9;
	s1 =	sadd.s32 $0x18200, s1  }
0x12: {  	s24 =	sadd.s32 $0x4D8, s9;
	s14 =	smax.u32 s7, $0x1;
	s17 =	sadd.s32 s26, s6  }
0x13: {  	s18 =	sadd.s32 s26, s5;
	s26 =	simm.s32 $0x14080;
	[dreg:$0x5] =	wrdreg s20  }
0x14: {  	s7 =	simm.s32 $0x0;
	[dreg:$0x6] =	wrdreg s21;
	s22 =	sadd.s32 s5, s12  }
0x15: {  	s23 =	sadd.s32 s6, s12;
	[dreg:$0x9] =	wrdreg s1;
	s15 =	sadd.s32 s5, s24  }
0x16: {  	s16 =	sadd.s32 s6, s24;
	s20 =	sshrl.u32 s10, $0x3;
	s21 =	simm.s32 $0x5  }
0x17: {  	s24 =	simm.s32 $0x50;
	s1 =	simm.s32 $0x2;
	[dreg:$0x7] =	wrdreg s22  }
0x18: {  	[dreg:$0x8] =	wrdreg s23;
	s22 =	simm.s32 $0x14000;
	s23 =	simm.s32 $0x14100  }
.LBB2_1:
0x19: {  	s9 =	rddreg [dreg:$0x4]  }
0x1a: {  	[spmem:s20], [sflag:s8] =	dma.local [hbm:s9], $0x2800  }
0x1b: {  	_ =	swait.ge [sflag:s21], $0x2800  }
0x1c: {  	[sflag:s21] =	ssyncset.done $0x0  }
0x1d: {  	[sflag:s21] =	ssyncadd.s32 $0xFFFFD800  }
0x1e: {  	[bflag:$0x0] =	sbarrier.arrive $0xFFFF  }
0x1f: {  	s11 =	rddreg [dreg:$0x5]  }
0x20: {  	[tilespmem:s22], [sflag:$0x5] =	stream.linear.gather [hbm4b:s11+s4], $0x50, $0x38;
	[tilespmem:$0x19200] =	vst v63  }
0x21: {  	_ =	swait.ge [sflag:s21], $0x50  }
0x22: {  	[sflag:s21] =	ssyncset.done $0x0  }
0x23: {  	s12 =	rddreg [dreg:$0x6];
	[sflag:s21] =	ssyncadd.s32 $0xFFFFFFB0  }
0x24: {  	[tilespmem:s23], [sflag:$0x5] =	stream.linear.gather [hbm4b:s12+s4], $0x50, $0x38;
	[tilespmem:$0x19200] =	vst v63  }
0x25: {  	_ =	swait.ge [sflag:s21], $0x50  }
0x26: {  	[sflag:s21] =	ssyncset.done $0x0  }
0x27: {  	[sflag:s21] =	ssyncadd.s32 $0xFFFFFFB0  }
0x28: {  	[tilespmem:s25], [sflag:$0x1] =	stream.indirect.gather [hbm4b:s0+s24], $0x80, s22, s24, $0xb8;
	[tilespmem:$0x19200] =	vst v63  }
0x29: {  	s13 =	rddreg [dreg:$0x7]  }
0x2a: {  	[tilespmem:s26], [sflag:$0x5] =	stream.linear.gather [hbm4b:s13+s4], $0x50, $0x38;
	[tilespmem:$0x19200] =	vst v63  }
0x2b: {  	_ =	swait.ge [sflag:s21], $0x50  }
0x2c: {  	[sflag:s21] =	ssyncset.done $0x0  }
0x2d: {  	s10 =	rddreg [dreg:$0x8];
	[sflag:s21] =	ssyncadd.s32 $0xFFFFFFB0  }
0x2e: {  	[tilespmem:s28], [sflag:$0x5] =	stream.linear.gather [hbm4b:s10+s4], $0x50, $0x38;
	[tilespmem:$0x19200] =	vst v63  }
0x2f: {  	_ =	swait.ge [sflag:s21], $0x50  }
0x30: {  	[sflag:s21] =	ssyncset.done $0x0  }
0x31: {  	[sflag:s21] =	ssyncadd.s32 $0xFFFFFFB0  }
0x32: {  	[tilespmem:s29], [sflag:$0x2] =	stream.indirect.gather [hbm4b:s0+s24], $0x80, s26, s24, $0xb8;
	[tilespmem:$0x19200] =	vst v63  }
0x33: {  	_ =	swait.ge [sflag:s30], $0x2800  }
0x34: {  	[sflag:s30] =	ssyncset.done $0x0  }
0x35: {  	[sflag:s30] =	ssyncadd.s32 $0xFFFFD800  }
0x36: {  	[spmem:s3] =	stream.indirect.scatter.add.f32 [tilespmem:s25], [sflag:$0x3], $0x80, s23, s24, $0xb8;
	[tilespmem:$0x19200] =	vst v63  }
0x37: {  	_ =	swait.ge [sflag:s31], $0x2800  }
0x38: {  	s11 =	sshrl.u32 s19, $0x3;
	[sflag:s31] =	ssyncset.done $0x0  }
0x39: {  	s10 =	sadd.s32 s5, s11;
	[sflag:s31] =	ssyncadd.s32 $0xFFFFD800  }
0x3a: {  	[tilespmem:s22], [sflag:$0x5] =	stream.linear.gather [hbm4b:s10+s4], $0x50, $0x38;
	[tilespmem:$0x19200] =	vst v63  }
0x3b: {  	_ =	swait.ge [sflag:s21], $0x50  }
0x3c: {  	[sflag:s21] =	ssyncset.done $0x0  }
0x3d: {  	s9 =	sadd.s32 s6, s11;
	[sflag:s21] =	ssyncadd.s32 $0xFFFFFFB0  }
0x3e: {  	[tilespmem:s23], [sflag:$0x5] =	stream.linear.gather [hbm4b:s9+s4], $0x50, $0x38;
	[tilespmem:$0x19200] =	vst v63  }
0x3f: {  	_ =	swait.ge [sflag:s21], $0x50  }
0x40: {  	[sflag:s21] =	ssyncset.done $0x0  }
0x41: {  	[sflag:s21] =	ssyncadd.s32 $0xFFFFFFB0  }
0x42: {  	[tilespmem:s25], [sflag:$0x1] =	stream.indirect.gather [hbm4b:s0+s24], $0x80, s22, s24, $0xb8;
	[tilespmem:$0x19200] =	vst v63  }
0x43: {  	_ =	swait.ge [sflag:s1], $0x2800  }
0x44: {  	[sflag:s1] =	ssyncset.done $0x0  }
0x45: {  	[sflag:s1] =	ssyncadd.s32 $0xFFFFD800  }
0x46: {  	[spmem:s3] =	stream.indirect.scatter.add.f32 [tilespmem:s29], [sflag:$0x4], $0x80, s28, s24, $0xb8;
	[tilespmem:$0x19200] =	vst v63  }
0x47: {  	_ =	swait.ge [sflag:s2], $0x2800  }
0x48: {  	[sflag:s2] =	ssyncset.done $0x0  }
0x49: {  	s12 =	sadd.s32 $0x0, s18;
	[sflag:s2] =	ssyncadd.s32 $0xFFFFD800  }
0x4a: {  	[tilespmem:s26], [sflag:$0x5] =	stream.linear.gather [hbm4b:s12+s4], $0x50, $0x38;
	[tilespmem:$0x19200] =	vst v63  }
0x4b: {  	_ =	swait.ge [sflag:s21], $0x50  }
0x4c: {  	[sflag:s21] =	ssyncset.done $0x0  }
0x4d: {  	s13 =	sadd.s32 $0x0, s17;
	[sflag:s21] =	ssyncadd.s32 $0xFFFFFFB0  }
0x4e: {  	[tilespmem:s28], [sflag:$0x5] =	stream.linear.gather [hbm4b:s13+s4], $0x50, $0x38;
	[tilespmem:$0x19200] =	vst v63  }
0x4f: {  	_ =	swait.ge [sflag:s21], $0x50  }
0x50: {  	[sflag:s21] =	ssyncset.done $0x0  }
0x51: {  	s10 =	sadd.s32 $0xA0, s19;
	s9 =	simm.s32 $0x14;
	[sflag:s21] =	ssyncadd.s32 $0xFFFFFFB0  }
.LBB2_2:
0x52: {  	[tilespmem:s29], [sflag:$0x2] =	stream.indirect.gather [hbm4b:s0+s24], $0x80, s26, s24, $0xb8;
	[tilespmem:$0x19200] =	vst v63  }
0x53: {  	s11 =	smov.u32 s9  }
0x54: {  	p0 =	sne.s32 s9, $0x4B0;
	s9 =	sadd.s32 $0x14, s9;
	_ =	swait.ge [sflag:s30], $0x2800  }
0x55: {  	[sflag:s30] =	ssyncset.done $0x0  }
0x56: {  	[sflag:s30] =	ssyncadd.s32 $0xFFFFD800  }
0x57: {  	[spmem:s3] =	stream.indirect.scatter.add.f32 [tilespmem:s25], [sflag:$0x3], $0x80, s23, s24, $0xb8;
	[tilespmem:$0x19200] =	vst v63  }
0x58: {  	_ =	swait.ge [sflag:s31], $0x2800  }
0x59: {  	s12 =	sshrl.u32 s10, $0x3;
	[sflag:s31] =	ssyncset.done $0x0  }
0x5a: {  	s13 =	sadd.s32 s5, s12;
	[sflag:s31] =	ssyncadd.s32 $0xFFFFD800  }
0x5b: {  	[tilespmem:s22], [sflag:$0x5] =	stream.linear.gather [hbm4b:s13+s4], $0x50, $0x38;
	[tilespmem:$0x19200] =	vst v63  }
0x5c: {  	_ =	swait.ge [sflag:s21], $0x50  }
0x5d: {  	[sflag:s21] =	ssyncset.done $0x0  }
0x5e: {  	s12 =	sadd.s32 s6, s12;
	[sflag:s21] =	ssyncadd.s32 $0xFFFFFFB0  }
0x5f: {  	[tilespmem:s23], [sflag:$0x5] =	stream.linear.gather [hbm4b:s12+s4], $0x50, $0x38;
	[tilespmem:$0x19200] =	vst v63  }
0x60: {  	_ =	swait.ge [sflag:s21], $0x50  }
0x61: {  	[sflag:s21] =	ssyncset.done $0x0  }
0x62: {  	[sflag:s21] =	ssyncadd.s32 $0xFFFFFFB0  }
0x63: {  	[tilespmem:s25], [sflag:$0x1] =	stream.indirect.gather [hbm4b:s0+s24], $0x80, s22, s24, $0xb8;
	[tilespmem:$0x19200] =	vst v63  }
0x64: {  	_ =	swait.ge [sflag:s1], $0x2800  }
0x65: {  	[sflag:s1] =	ssyncset.done $0x0  }
0x66: {  	[sflag:s1] =	ssyncadd.s32 $0xFFFFD800  }
0x67: {  	[spmem:s3] =	stream.indirect.scatter.add.f32 [tilespmem:s29], [sflag:$0x4], $0x80, s28, s24, $0xb8;
	[tilespmem:$0x19200] =	vst v63  }
0x68: {  	_ =	swait.ge [sflag:s2], $0x2800  }
0x69: {  	[sflag:s2] =	ssyncset.done $0x0  }
0x6a: {  	s12 =	sadd.s32 s11, s18;
	[sflag:s2] =	ssyncadd.s32 $0xFFFFD800  }
0x6b: {  	[tilespmem:s26], [sflag:$0x5] =	stream.linear.gather [hbm4b:s12+s4], $0x50, $0x38;
	[tilespmem:$0x19200] =	vst v63  }
0x6c: {  	_ =	swait.ge [sflag:s21], $0x50  }
0x6d: {  	[sflag:s21] =	ssyncset.done $0x0  }
.Ltmp0:
0x6e: {  	s11 =	sadd.s32 s11, s17;
	[sflag:s21] =	ssyncadd.s32 $0xFFFFFFB0;
	(pc) =	sbr.rel @p0 .LBB2_2-.Ltmp0, $4  }
0x6f: {  	[tilespmem:s28], [sflag:$0x5] =	stream.linear.gather [hbm4b:s11+s4], $0x50, $0x38;
	[tilespmem:$0x19200] =	vst v63  }
0x70: {  	_ =	swait.ge [sflag:s21], $0x50  }
0x71: {  	[sflag:s21] =	ssyncset.done $0x0  }
0x72: {  	s10 =	sadd.s32 $0xA0, s10;
	[sflag:s21] =	ssyncadd.s32 $0xFFFFFFB0  }
0x73: {  	[tilespmem:s29], [sflag:$0x2] =	stream.indirect.gather [hbm4b:s0+s24], $0x80, s26, s24, $0xb8;
	[tilespmem:$0x19200] =	vst v63  }
0x74: {  	_ =	swait.ge [sflag:s30], $0x2800  }
0x75: {  	[sflag:s30] =	ssyncset.done $0x0  }
0x76: {  	[sflag:s30] =	ssyncadd.s32 $0xFFFFD800  }
0x77: {  	[spmem:s3] =	stream.indirect.scatter.add.f32 [tilespmem:s25], [sflag:$0x3], $0x80, s23, s24, $0xb8;
	[tilespmem:$0x19200] =	vst v63  }
0x78: {  	_ =	swait.ge [sflag:s31], $0x2800  }
0x79: {  	[sflag:s31] =	ssyncset.done $0x0  }
0x7a: {  	[sflag:s31] =	ssyncadd.s32 $0xFFFFD800  }
0x7b: {  	[tilespmem:s22], [sflag:$0x5] =	stream.linear.gather [hbm4b:s15+s4], $0x50, $0x38;
	[tilespmem:$0x19200] =	vst v63  }
0x7c: {  	_ =	swait.ge [sflag:s21], $0x50  }
0x7d: {  	[sflag:s21] =	ssyncset.done $0x0  }
0x7e: {  	[sflag:s21] =	ssyncadd.s32 $0xFFFFFFB0  }
0x7f: {  	[tilespmem:s23], [sflag:$0x5] =	stream.linear.gather [hbm4b:s16+s4], $0x50, $0x38;
	[tilespmem:$0x19200] =	vst v63  }
0x80: {  	_ =	swait.ge [sflag:s21], $0x50  }
0x81: {  	[sflag:s21] =	ssyncset.done $0x0  }
0x82: {  	[sflag:s21] =	ssyncadd.s32 $0xFFFFFFB0  }
0x83: {  	[tilespmem:s25], [sflag:$0x1] =	stream.indirect.gather [hbm4b:s0+s24], $0x80, s22, s24, $0xb8;
	[tilespmem:$0x19200] =	vst v63  }
0x84: {  	_ =	swait.ge [sflag:s1], $0x2800  }
0x85: {  	[sflag:s1] =	ssyncset.done $0x0  }
0x86: {  	[sflag:s1] =	ssyncadd.s32 $0xFFFFD800  }
0x87: {  	[spmem:s3] =	stream.indirect.scatter.add.f32 [tilespmem:s29], [sflag:$0x4], $0x80, s28, s24, $0xb8;
	[tilespmem:$0x19200] =	vst v63  }
0x88: {  	_ =	swait.ge [sflag:s2], $0x2800  }
0x89: {  	[sflag:s2] =	ssyncset.done $0x0  }
0x8a: {  	[sflag:s2] =	ssyncadd.s32 $0xFFFFD800  }
0x8b: {  	_ =	swait.ge [sflag:s30], $0x2800  }
0x8c: {  	[sflag:s30] =	ssyncset.done $0x0  }
0x8d: {  	[sflag:s30] =	ssyncadd.s32 $0xFFFFD800  }
0x8e: {  	[spmem:s3] =	stream.indirect.scatter.add.f32 [tilespmem:s25], [sflag:$0x3], $0x80, s23, s24, $0xb8;
	[tilespmem:$0x19200] =	vst v63  }
0x8f: {  	_ =	swait.ge [sflag:s31], $0x2800  }
0x90: {  	[sflag:s31] =	ssyncset.done $0x0  }
0x91: {  	s7 =	sadd.s32 $0x1, s7;
	[sflag:s31] =	ssyncadd.s32 $0xFFFFD800  }
0x92: {  	p0 =	sne.s32 s7, s14;
	[bflag:$0x0] =	sbarrier.arrive $0xFFFF  }
.Ltmp1:
0x93: {  	s9 =	rddreg [dreg:$0x9];
	(pc) =	sbr.rel @p0 .LBB2_1-.Ltmp1, $4  }
0x94: {  	[hbm:s9], [sflag:s8] =	dma.local [spmem:s20], $0x2800  }
0x95: {  	_ =	swait.ge [sflag:s21], $0x2800  }
0x96: {  	[sflag:s21] =	ssyncset.done $0x0  }
0x97: {  	[sflag:s21] =	ssyncadd.s32 $0xFFFFD800  }
0x98: {  	_ =	sfence.sel $0x180000  }
0x99: {  	[bflag:$0x0] =	sbarrier.arrive $0xFFFF  }
0x9a: {  	_ =	strace $0x90000047  }
0x9b: {  	s0 =	stileid.u32;
	[bflag:$0x2] =	sbarrier.arrive $0xFFFF  }
0x9c: {  	p0 =	sne.s32 s0, $0x0;
	s0 =	rddreg [dreg:$0x3]  }
0x9d: {  	s0 =	sadd.s32 @!p0 $0x100000, s0  }
0x9e: {  	[sflag:s0] =	ssyncadd.tile.s32 @!p0 $0x1;
	_ =	shalt  }
.Lfunc_end2:
_tile_overlayer_lowered:
.L_overlay_start_2:
0x9f: {  	(tag) =	ssettag $0x2  }
0xa0: {  	s0 =	rddreg [dreg:$0x0];
	s2 =	stileid.u32  }
0xa1: {  	s1 =	rddreg [dreg:$0x1];
	p0 =	sne.s32 s2, $0x0  }
0xa2: {  	s3 =	rddreg [dreg:$0x2];
	[bflag:$0x3] =	sbarrier.arrive $0xFFFF;
	s2 =	simm.s32 @!p0 $0x1C05  }
0xa3: {  	[timem:s3], [sflag:s2] =	dma.local @!p0 [hbm:s0], s1  }
0xa4: {  	s0 =	simm.s32 @!p0 $0x5  }
0xa5: {  	_ =	swait.ge @!p0 [sflag:s0], s1  }
0xa6: {  	s1 =	ssub.s32 @!p0 $0x0, s1;
	[sflag:s0] =	ssyncset.done @!p0 $0x0  }
0xa7: {  	[sflag:s0] =	ssyncadd.s32 @!p0 s1  }
0xa8: {  	[bflag:$0x3] =	sbarrier.arrive $0xFFFF  }
0xa9: {  	_ =	shalt  }

</sc_bundles>
